<compile_context>
chip_gen: v7x
topology: tpu7x:2x2x1
jax: 0.10.2.dev20260603
libtpu: 0.0.44.dev20260713+nightly
codegen_flags: <defaults>
</compile_context>

<pallas_src>
import functools

import jax
import jax.numpy as jnp
from jax import lax
from jax.experimental import pallas as pl
from jax.experimental.pallas import tpu as pltpu
from jax.experimental.pallas import tpu_sc as plsc

_B, _T, _D_IN, _D_OUT = 4, 512, 512, 256
_NUM_NEG = 100

_NC, _NS = 2, 16
_NW = _NC * _NS
_ROWS = _NUM_NEG * _B * _T
_RPW = _ROWS // _NW
_CH = 64
_NCHUNK = _RPW // _CH
_NBUF = 5
_NOUT = _NCHUNK // _NBUF


def _neg_idxs_const():
    tszs = jnp.repeat(jnp.arange(_T), _NUM_NEG)
    neg = jax.random.randint(jax.random.key(42), (_B, _NUM_NEG * _T), 0, _T - 1)
    neg = jnp.where(neg >= tszs[None, :], neg + 1, neg)
    neg = neg + jnp.arange(_B)[:, None] * _T
    return neg


def _mm_body(x_ref, w_ref, b_ref, o_ref):
    o_ref[...] = (
        jnp.dot(x_ref[...], w_ref[...], preferred_element_type=jnp.float32)
        + b_ref[...]
    )


def _pre_matmul(x2d, W, b2d):
    return pl.pallas_call(
        _mm_body,
        out_shape=jax.ShapeDtypeStruct((_B * _T, _D_OUT), jnp.float32),
    )(x2d, W, b2d)


_sc_mesh = plsc.VectorSubcoreMesh(core_axis_name="c", subcore_axis_name="s")


@functools.partial(
    pl.kernel,
    mesh=_sc_mesh,
    out_type=jax.ShapeDtypeStruct((_ROWS, _D_OUT), jnp.float32),
    scratch_types=(
        [pltpu.VMEM((_NCHUNK, _CH), jnp.int32)]
        + [pltpu.VMEM((_CH, _D_OUT), jnp.float32) for _ in range(_NBUF)]
        + [pltpu.SemaphoreType.DMA for _ in range(2 * _NBUF)]
    ),
)
def _sc_gather(table_hbm, gidx_hbm, out_hbm, idx_v, *bufs_sems):
    rows = bufs_sems[:_NBUF]
    gsem = bufs_sems[_NBUF : 2 * _NBUF]
    ssem = bufs_sems[2 * _NBUF :]
    wid = lax.axis_index("s") * _NC + lax.axis_index("c")
    base = wid * _RPW
    pltpu.sync_copy(gidx_hbm.at[wid], idx_v)

    def g_start(c, b):
        pltpu.make_async_copy(table_hbm.at[idx_v.at[c]], rows[b], gsem[b]).start()

    def g_wait(b):
        pltpu.make_async_copy(table_hbm.at[idx_v.at[0]], rows[b], gsem[b]).wait()

    def s_start(c, b):
        dst = out_hbm.at[pl.ds(base + c * _CH, _CH)]
        pltpu.make_async_copy(rows[b], dst, ssem[b]).start()

    def s_wait(b):
        dst = out_hbm.at[pl.ds(base, _CH)]
        pltpu.make_async_copy(rows[b], dst, ssem[b]).wait()

    for b in range(_NBUF):
        g_start(b, b)

    def body(outer, carry):
        c0 = outer * _NBUF
        for b in range(_NBUF):
            g_wait(b)
            s_start(c0 + b, b)
        for b in range(_NBUF):
            s_wait(b)
            g_start(c0 + _NBUF + b, b)
        return carry

    lax.fori_loop(0, _NOUT - 1, body, 0)
    c0 = (_NOUT - 1) * _NBUF
    for b in range(_NBUF):
        g_wait(b)
        s_start(c0 + b, b)
    for b in range(_NBUF):
        s_wait(b)


def kernel(input, W, b):
    x2d = input.reshape(_B * _T, _D_IN)
    pre2d = _pre_matmul(x2d, W, b.reshape(1, _D_OUT))

    neg_idxs = _neg_idxs_const()
    gidx = (
        neg_idxs.reshape(_B, _T, _NUM_NEG)
        .transpose(2, 0, 1)
        .reshape(_NW, _NCHUNK, _CH)
        .astype(jnp.int32)
    )

    negs_flat = _sc_gather(pre2d, gidx)
    negs = negs_flat.reshape(_NUM_NEG, _B, _T, _D_OUT)
    return pre2d.reshape(_B, _T, _D_OUT), negs, neg_idxs

# --- scband reference (transcript-rebuilt; emitter-appended) ---
"""Pipeline reference for scband-negative-sampler-15367392985360 (READ-ONLY COPY).

The authoritative reference and input builder live on the scoring server;
editing this copy changes nothing except your own understanding.
"""

import jax, jax.numpy as jnp
import numpy as np

B, T, D_IN, D_OUT = 4, 512, 512, 256
NUM_NEG = 100


def _sample_neg_idxs(key, b, t, num_negatives):
    # Faithful port of torch _sample_negatives index construction
    # (cross_sample_negatives == 0 path).
    high = t
    # tszs = arange(T).unsqueeze(-1).expand(-1, num_neg).flatten()
    tszs = jnp.repeat(jnp.arange(t), num_negatives)  # [t*num_neg]
    neg_idxs = jax.random.randint(key, (b, num_negatives * t), 0, high - 1)
    # shift indices >= own timestep to avoid sampling the positive
    neg_idxs = jnp.where(neg_idxs >= tszs[None, :], neg_idxs + 1, neg_idxs)
    # offset into flattened (B*T) view
    neg_idxs = neg_idxs + jnp.arange(b)[:, None] * high
    return neg_idxs


def setup_inputs(seed: int = 0) -> dict:
    key = jax.random.key(seed)
    k1, k2 = jax.random.split(key, 2)
    inp = jax.random.normal(k1, (B, T, D_IN), dtype=jnp.float32)
    # preprocessor = nn.Linear(D_IN, D_OUT)
    W = jax.random.normal(k2, (D_IN, D_OUT), dtype=jnp.float32) * (1.0 / np.sqrt(D_IN))
    b = jnp.zeros((D_OUT,), dtype=jnp.float32)
    return {"input": inp, "W": W, "b": b}


def reference(input, W, b):
    # preprocessor
    pre = jnp.einsum('btd,de->bte', input, W) + b  # (B, T, D_OUT)
    # negative sampling
    neg_idxs = _sample_neg_idxs(jax.random.key(42), B, T, NUM_NEG)  # (B, NUM_NEG*T)
    flat = pre.reshape(-1, D_OUT)  # (B*T, D_OUT)
    negs = jnp.take(flat, neg_idxs.reshape(-1), axis=0)
    negs = negs.reshape(B, T, NUM_NEG, D_OUT).transpose(2, 0, 1, 3)  # (NUM_NEG, B, T, D_OUT)
    return pre, negs, neg_idxs

if __name__ == "__main__":
    import jax
    _d = setup_inputs()
    print(jax.jit(kernel)(*tuple(_d.values())))

</pallas_src>

<mosaic_0001>
#map = affine_map<(d0, d1) -> (0, 0)>
#map1 = affine_map<(d0, d1) -> (0, 0, 0)>
module attributes {stable_mosaic.version = 14 : i64} {
  func.func @_sc_gather(%arg0: i32, %arg1: i32, %arg2: memref<2048x256xf32, #tpu.memory_space<hbm>>, %arg3: memref<32x100x64xi32, #tpu.memory_space<hbm>>, %arg4: memref<204800x256xf32, #tpu.memory_space<hbm>>, %arg5: memref<100x64xi32, #tpu.memory_space<vmem>>, %arg6: memref<64x256xf32, #tpu.memory_space<vmem>>, %arg7: memref<64x256xf32, #tpu.memory_space<vmem>>, %arg8: memref<64x256xf32, #tpu.memory_space<vmem>>, %arg9: memref<64x256xf32, #tpu.memory_space<vmem>>, %arg10: memref<64x256xf32, #tpu.memory_space<vmem>>, %arg11: memref<!tpu.dma_semaphore, #tpu.memory_space<semaphore_mem>>, %arg12: memref<!tpu.dma_semaphore, #tpu.memory_space<semaphore_mem>>, %arg13: memref<!tpu.dma_semaphore, #tpu.memory_space<semaphore_mem>>, %arg14: memref<!tpu.dma_semaphore, #tpu.memory_space<semaphore_mem>>, %arg15: memref<!tpu.dma_semaphore, #tpu.memory_space<semaphore_mem>>, %arg16: memref<!tpu.dma_semaphore, #tpu.memory_space<semaphore_mem>>, %arg17: memref<!tpu.dma_semaphore, #tpu.memory_space<semaphore_mem>>, %arg18: memref<!tpu.dma_semaphore, #tpu.memory_space<semaphore_mem>>, %arg19: memref<!tpu.dma_semaphore, #tpu.memory_space<semaphore_mem>>, %arg20: memref<!tpu.dma_semaphore, #tpu.memory_space<semaphore_mem>>) attributes {dimension_semantics = [#tpu.dimension_semantics<core_parallel>, #tpu.dimension_semantics<subcore_parallel>], iteration_bounds = array<i64: 2, 16>, scalar_prefetch = 0 : i64, scratch_operands = 16 : i64, tpu.core_type = #tpu.core_type<sc_vector_subcore>, window_params = [{transform_indices = #map}, {transform_indices = #map1}, {transform_indices = #map}]} {
    %mul3A = arith.constant 2 : i32
    %mul3A_0 = arith.muli %arg1, %mul3A : i32
    %add3A = arith.addi %mul3A_0, %arg0 : i32
    %mul3A_1 = arith.constant 6400 : i32
    %mul3A_2 = arith.muli %add3A, %mul3A_1 : i32
    "tpu.region"() ({
      %run_scoped3A = tpu.sem_alloc : memref<!tpu.dma_semaphore, #tpu.memory_space<semaphore_mem>>
      %dma_start3A_126 = arith.constant 0 : i32
      %dma_start3A_127 = arith.constant 0 : i32
      %dma_start3A_128 = tpu.memref_slice %arg3[%add3A, %dma_start3A_126, %dma_start3A_127] : memref<32x100x64xi32, #tpu.memory_space<hbm>> -> memref<1x100x64xi32, #tpu.memory_space<hbm>>
      %dma_start3A_129 = tpu.memref_squeeze %dma_start3A_128 : memref<1x100x64xi32, #tpu.memory_space<hbm>> -> memref<100x64xi32, #tpu.memory_space<hbm>>
      %dma_start3A_130 = arith.constant 0 : i32
      %dma_start3A_131 = arith.constant 0 : i32
      %dma_start3A_132 = tpu.memref_slice %arg3[%add3A, %dma_start3A_130, %dma_start3A_131] : memref<32x100x64xi32, #tpu.memory_space<hbm>> -> memref<1x100x64xi32, #tpu.memory_space<hbm>>
      %dma_start3A_133 = tpu.memref_squeeze %dma_start3A_132 : memref<1x100x64xi32, #tpu.memory_space<hbm>> -> memref<100x64xi32, #tpu.memory_space<hbm>>
      tpu.enqueue_dma source(%dma_start3A_133 : memref<100x64xi32, #tpu.memory_space<hbm>>) target(%arg5 : memref<100x64xi32, #tpu.memory_space<vmem>>) target_semaphore(%run_scoped3A : memref<!tpu.dma_semaphore, #tpu.memory_space<semaphore_mem>>)
      %dma_wait3A_134 = arith.constant 0 : i32
      %dma_wait3A_135 = arith.constant 0 : i32
      %dma_wait3A_136 = tpu.memref_slice %arg3[%add3A, %dma_wait3A_134, %dma_wait3A_135] : memref<32x100x64xi32, #tpu.memory_space<hbm>> -> memref<1x100x64xi32, #tpu.memory_space<hbm>>
      %dma_wait3A_137 = tpu.memref_squeeze %dma_wait3A_136 : memref<1x100x64xi32, #tpu.memory_space<hbm>> -> memref<100x64xi32, #tpu.memory_space<hbm>>
      %dma_wait3A_138 = arith.constant 0 : i32
      %dma_wait3A_139 = arith.constant 0 : i32
      %dma_wait3A_140 = tpu.memref_slice %arg3[%add3A, %dma_wait3A_138, %dma_wait3A_139] : memref<32x100x64xi32, #tpu.memory_space<hbm>> -> memref<1x100x64xi32, #tpu.memory_space<hbm>>
      %dma_wait3A_141 = tpu.memref_squeeze %dma_wait3A_140 : memref<1x100x64xi32, #tpu.memory_space<hbm>> -> memref<100x64xi32, #tpu.memory_space<hbm>>
      tpu.wait_dma2 semaphore(%run_scoped3A : memref<!tpu.dma_semaphore, #tpu.memory_space<semaphore_mem>>) src(%dma_wait3A_141 : memref<100x64xi32, #tpu.memory_space<hbm>>) dst(%arg5 : memref<100x64xi32, #tpu.memory_space<vmem>>)
      tpu.yield
    }) : () -> ()
    %dma_start3A = arith.constant 0 : i32
    %dma_start3A_3 = arith.constant 0 : i32
    %dma_start3A_4 = tpu.memref_slice %arg5[%dma_start3A, %dma_start3A_3] : memref<100x64xi32, #tpu.memory_space<vmem>> -> memref<1x64xi32, #tpu.memory_space<vmem>>
    %dma_start3A_5 = tpu.memref_squeeze %dma_start3A_4 : memref<1x64xi32, #tpu.memory_space<vmem>> -> memref<64xi32, #tpu.memory_space<vmem>>
    %dma_start3A_6 = arith.constant 0 : i32
    %dma_start3A_7 = arith.constant 0 : i32
    %dma_start3A_8 = tpu.memref_slice %arg2[%dma_start3A_6, %dma_start3A_7] : memref<2048x256xf32, #tpu.memory_space<hbm>> -> memref<2048x256xf32, #tpu.memory_space<hbm>>
    tpu.enqueue_indirect_dma source(%dma_start3A_8 : memref<2048x256xf32, #tpu.memory_space<hbm>>) target(%arg6 : memref<64x256xf32, #tpu.memory_space<vmem>>) offsets(%dma_start3A_5 : memref<64xi32, #tpu.memory_space<vmem>>) semaphore(%arg11 : memref<!tpu.dma_semaphore, #tpu.memory_space<semaphore_mem>>)
    %dma_start3A_9 = arith.constant 1 : i32
    %dma_start3A_10 = arith.constant 0 : i32
    %dma_start3A_11 = tpu.memref_slice %arg5[%dma_start3A_9, %dma_start3A_10] : memref<100x64xi32, #tpu.memory_space<vmem>> -> memref<1x64xi32, #tpu.memory_space<vmem>>
    %dma_start3A_12 = tpu.memref_squeeze %dma_start3A_11 : memref<1x64xi32, #tpu.memory_space<vmem>> -> memref<64xi32, #tpu.memory_space<vmem>>
    %dma_start3A_13 = arith.constant 0 : i32
    %dma_start3A_14 = arith.constant 0 : i32
    %dma_start3A_15 = tpu.memref_slice %arg2[%dma_start3A_13, %dma_start3A_14] : memref<2048x256xf32, #tpu.memory_space<hbm>> -> memref<2048x256xf32, #tpu.memory_space<hbm>>
    tpu.enqueue_indirect_dma source(%dma_start3A_15 : memref<2048x256xf32, #tpu.memory_space<hbm>>) target(%arg7 : memref<64x256xf32, #tpu.memory_space<vmem>>) offsets(%dma_start3A_12 : memref<64xi32, #tpu.memory_space<vmem>>) semaphore(%arg12 : memref<!tpu.dma_semaphore, #tpu.memory_space<semaphore_mem>>)
    %dma_start3A_16 = arith.constant 2 : i32
    %dma_start3A_17 = arith.constant 0 : i32
    %dma_start3A_18 = tpu.memref_slice %arg5[%dma_start3A_16, %dma_start3A_17] : memref<100x64xi32, #tpu.memory_space<vmem>> -> memref<1x64xi32, #tpu.memory_space<vmem>>
    %dma_start3A_19 = tpu.memref_squeeze %dma_start3A_18 : memref<1x64xi32, #tpu.memory_space<vmem>> -> memref<64xi32, #tpu.memory_space<vmem>>
    %dma_start3A_20 = arith.constant 0 : i32
    %dma_start3A_21 = arith.constant 0 : i32
    %dma_start3A_22 = tpu.memref_slice %arg2[%dma_start3A_20, %dma_start3A_21] : memref<2048x256xf32, #tpu.memory_space<hbm>> -> memref<2048x256xf32, #tpu.memory_space<hbm>>
    tpu.enqueue_indirect_dma source(%dma_start3A_22 : memref<2048x256xf32, #tpu.memory_space<hbm>>) target(%arg8 : memref<64x256xf32, #tpu.memory_space<vmem>>) offsets(%dma_start3A_19 : memref<64xi32, #tpu.memory_space<vmem>>) semaphore(%arg13 : memref<!tpu.dma_semaphore, #tpu.memory_space<semaphore_mem>>)
    %dma_start3A_23 = arith.constant 3 : i32
    %dma_start3A_24 = arith.constant 0 : i32
    %dma_start3A_25 = tpu.memref_slice %arg5[%dma_start3A_23, %dma_start3A_24] : memref<100x64xi32, #tpu.memory_space<vmem>> -> memref<1x64xi32, #tpu.memory_space<vmem>>
    %dma_start3A_26 = tpu.memref_squeeze %dma_start3A_25 : memref<1x64xi32, #tpu.memory_space<vmem>> -> memref<64xi32, #tpu.memory_space<vmem>>
    %dma_start3A_27 = arith.constant 0 : i32
    %dma_start3A_28 = arith.constant 0 : i32
    %dma_start3A_29 = tpu.memref_slice %arg2[%dma_start3A_27, %dma_start3A_28] : memref<2048x256xf32, #tpu.memory_space<hbm>> -> memref<2048x256xf32, #tpu.memory_space<hbm>>
    tpu.enqueue_indirect_dma source(%dma_start3A_29 : memref<2048x256xf32, #tpu.memory_space<hbm>>) target(%arg9 : memref<64x256xf32, #tpu.memory_space<vmem>>) offsets(%dma_start3A_26 : memref<64xi32, #tpu.memory_space<vmem>>) semaphore(%arg14 : memref<!tpu.dma_semaphore, #tpu.memory_space<semaphore_mem>>)
    %dma_start3A_30 = arith.constant 4 : i32
    %dma_start3A_31 = arith.constant 0 : i32
    %dma_start3A_32 = tpu.memref_slice %arg5[%dma_start3A_30, %dma_start3A_31] : memref<100x64xi32, #tpu.memory_space<vmem>> -> memref<1x64xi32, #tpu.memory_space<vmem>>
    %dma_start3A_33 = tpu.memref_squeeze %dma_start3A_32 : memref<1x64xi32, #tpu.memory_space<vmem>> -> memref<64xi32, #tpu.memory_space<vmem>>
    %dma_start3A_34 = arith.constant 0 : i32
    %dma_start3A_35 = arith.constant 0 : i32
    %dma_start3A_36 = tpu.memref_slice %arg2[%dma_start3A_34, %dma_start3A_35] : memref<2048x256xf32, #tpu.memory_space<hbm>> -> memref<2048x256xf32, #tpu.memory_space<hbm>>
    tpu.enqueue_indirect_dma source(%dma_start3A_36 : memref<2048x256xf32, #tpu.memory_space<hbm>>) target(%arg10 : memref<64x256xf32, #tpu.memory_space<vmem>>) offsets(%dma_start3A_33 : memref<64xi32, #tpu.memory_space<vmem>>) semaphore(%arg15 : memref<!tpu.dma_semaphore, #tpu.memory_space<semaphore_mem>>)
    %scan3A = arith.constant 0 : i32
    %scan3A_37 = arith.constant 0 : i32
    %scan3A_38 = arith.constant 19 : i32
    %scan3A_39 = arith.addi %scan3A_37, %scan3A_38 : i32
    %scan3A_40 = arith.constant 1 : i32
    scf.for %scan3A_126 = %scan3A_37 to %scan3A_39 step %scan3A_40  : i32 {
      %mul3A_127 = arith.constant 5 : i32
      %mul3A_128 = arith.muli %scan3A_126, %mul3A_127 : i32
      %dma_wait3A_129 = arith.constant 0 : i32
      %dma_wait3A_130 = arith.constant 0 : i32
      %dma_wait3A_131 = tpu.memref_slice %arg5[%dma_wait3A_129, %dma_wait3A_130] : memref<100x64xi32, #tpu.memory_space<vmem>> -> memref<1x64xi32, #tpu.memory_space<vmem>>
      %dma_wait3A_132 = tpu.memref_squeeze %dma_wait3A_131 : memref<1x64xi32, #tpu.memory_space<vmem>> -> memref<64xi32, #tpu.memory_space<vmem>>
      %dma_wait3A_133 = arith.constant 0 : i32
      %dma_wait3A_134 = arith.constant 0 : i32
      %dma_wait3A_135 = tpu.memref_slice %arg2[%dma_wait3A_133, %dma_wait3A_134] : memref<2048x256xf32, #tpu.memory_space<hbm>> -> memref<2048x256xf32, #tpu.memory_space<hbm>>
      tpu.wait_indirect_dma semaphore(%arg11 : memref<!tpu.dma_semaphore, #tpu.memory_space<semaphore_mem>>) src(%dma_wait3A_135 : memref<2048x256xf32, #tpu.memory_space<hbm>>) dst(%arg6 : memref<64x256xf32, #tpu.memory_space<vmem>>)
      %add3A_136 = arith.constant 0 : i32
      %add3A_137 = arith.addi %mul3A_128, %add3A_136 : i32
      %mul3A_138 = arith.constant 64 : i32
      %mul3A_139 = arith.muli %add3A_137, %mul3A_138 : i32
      %add3A_140 = arith.addi %mul3A_2, %mul3A_139 : i32
      %dma_start3A_141 = arith.constant 0 : i32
      %dma_start3A_142 = tpu.memref_slice %arg4[%add3A_140, %dma_start3A_141] : memref<204800x256xf32, #tpu.memory_space<hbm>> -> memref<64x256xf32, #tpu.memory_space<hbm>>
      %dma_start3A_143 = arith.constant 0 : i32
      %dma_start3A_144 = tpu.memref_slice %arg4[%add3A_140, %dma_start3A_143] : memref<204800x256xf32, #tpu.memory_space<hbm>> -> memref<64x256xf32, #tpu.memory_space<hbm>>
      tpu.enqueue_dma source(%arg6 : memref<64x256xf32, #tpu.memory_space<vmem>>) target(%dma_start3A_144 : memref<64x256xf32, #tpu.memory_space<hbm>>) target_semaphore(%arg16 : memref<!tpu.dma_semaphore, #tpu.memory_space<semaphore_mem>>)
      %dma_wait3A_145 = arith.constant 0 : i32
      %dma_wait3A_146 = arith.constant 0 : i32
      %dma_wait3A_147 = tpu.memref_slice %arg5[%dma_wait3A_145, %dma_wait3A_146] : memref<100x64xi32, #tpu.memory_space<vmem>> -> memref<1x64xi32, #tpu.memory_space<vmem>>
      %dma_wait3A_148 = tpu.memref_squeeze %dma_wait3A_147 : memref<1x64xi32, #tpu.memory_space<vmem>> -> memref<64xi32, #tpu.memory_space<vmem>>
      %dma_wait3A_149 = arith.constant 0 : i32
      %dma_wait3A_150 = arith.constant 0 : i32
      %dma_wait3A_151 = tpu.memref_slice %arg2[%dma_wait3A_149, %dma_wait3A_150] : memref<2048x256xf32, #tpu.memory_space<hbm>> -> memref<2048x256xf32, #tpu.memory_space<hbm>>
      tpu.wait_indirect_dma semaphore(%arg12 : memref<!tpu.dma_semaphore, #tpu.memory_space<semaphore_mem>>) src(%dma_wait3A_151 : memref<2048x256xf32, #tpu.memory_space<hbm>>) dst(%arg7 : memref<64x256xf32, #tpu.memory_space<vmem>>)
      %add3A_152 = arith.constant 1 : i32
      %add3A_153 = arith.addi %mul3A_128, %add3A_152 : i32
      %mul3A_154 = arith.constant 64 : i32
      %mul3A_155 = arith.muli %add3A_153, %mul3A_154 : i32
      %add3A_156 = arith.addi %mul3A_2, %mul3A_155 : i32
      %dma_start3A_157 = arith.constant 0 : i32
      %dma_start3A_158 = tpu.memref_slice %arg4[%add3A_156, %dma_start3A_157] : memref<204800x256xf32, #tpu.memory_space<hbm>> -> memref<64x256xf32, #tpu.memory_space<hbm>>
      %dma_start3A_159 = arith.constant 0 : i32
      %dma_start3A_160 = tpu.memref_slice %arg4[%add3A_156, %dma_start3A_159] : memref<204800x256xf32, #tpu.memory_space<hbm>> -> memref<64x256xf32, #tpu.memory_space<hbm>>
      tpu.enqueue_dma source(%arg7 : memref<64x256xf32, #tpu.memory_space<vmem>>) target(%dma_start3A_160 : memref<64x256xf32, #tpu.memory_space<hbm>>) target_semaphore(%arg17 : memref<!tpu.dma_semaphore, #tpu.memory_space<semaphore_mem>>)
      %dma_wait3A_161 = arith.constant 0 : i32
      %dma_wait3A_162 = arith.constant 0 : i32
      %dma_wait3A_163 = tpu.memref_slice %arg5[%dma_wait3A_161, %dma_wait3A_162] : memref<100x64xi32, #tpu.memory_space<vmem>> -> memref<1x64xi32, #tpu.memory_space<vmem>>
      %dma_wait3A_164 = tpu.memref_squeeze %dma_wait3A_163 : memref<1x64xi32, #tpu.memory_space<vmem>> -> memref<64xi32, #tpu.memory_space<vmem>>
      %dma_wait3A_165 = arith.constant 0 : i32
      %dma_wait3A_166 = arith.constant 0 : i32
      %dma_wait3A_167 = tpu.memref_slice %arg2[%dma_wait3A_165, %dma_wait3A_166] : memref<2048x256xf32, #tpu.memory_space<hbm>> -> memref<2048x256xf32, #tpu.memory_space<hbm>>
      tpu.wait_indirect_dma semaphore(%arg13 : memref<!tpu.dma_semaphore, #tpu.memory_space<semaphore_mem>>) src(%dma_wait3A_167 : memref<2048x256xf32, #tpu.memory_space<hbm>>) dst(%arg8 : memref<64x256xf32, #tpu.memory_space<vmem>>)
      %add3A_168 = arith.constant 2 : i32
      %add3A_169 = arith.addi %mul3A_128, %add3A_168 : i32
      %mul3A_170 = arith.constant 64 : i32
      %mul3A_171 = arith.muli %add3A_169, %mul3A_170 : i32
      %add3A_172 = arith.addi %mul3A_2, %mul3A_171 : i32
      %dma_start3A_173 = arith.constant 0 : i32
      %dma_start3A_174 = tpu.memref_slice %arg4[%add3A_172, %dma_start3A_173] : memref<204800x256xf32, #tpu.memory_space<hbm>> -> memref<64x256xf32, #tpu.memory_space<hbm>>
      %dma_start3A_175 = arith.constant 0 : i32
      %dma_start3A_176 = tpu.memref_slice %arg4[%add3A_172, %dma_start3A_175] : memref<204800x256xf32, #tpu.memory_space<hbm>> -> memref<64x256xf32, #tpu.memory_space<hbm>>
      tpu.enqueue_dma source(%arg8 : memref<64x256xf32, #tpu.memory_space<vmem>>) target(%dma_start3A_176 : memref<64x256xf32, #tpu.memory_space<hbm>>) target_semaphore(%arg18 : memref<!tpu.dma_semaphore, #tpu.memory_space<semaphore_mem>>)
      %dma_wait3A_177 = arith.constant 0 : i32
      %dma_wait3A_178 = arith.constant 0 : i32
      %dma_wait3A_179 = tpu.memref_slice %arg5[%dma_wait3A_177, %dma_wait3A_178] : memref<100x64xi32, #tpu.memory_space<vmem>> -> memref<1x64xi32, #tpu.memory_space<vmem>>
      %dma_wait3A_180 = tpu.memref_squeeze %dma_wait3A_179 : memref<1x64xi32, #tpu.memory_space<vmem>> -> memref<64xi32, #tpu.memory_space<vmem>>
      %dma_wait3A_181 = arith.constant 0 : i32
      %dma_wait3A_182 = arith.constant 0 : i32
      %dma_wait3A_183 = tpu.memref_slice %arg2[%dma_wait3A_181, %dma_wait3A_182] : memref<2048x256xf32, #tpu.memory_space<hbm>> -> memref<2048x256xf32, #tpu.memory_space<hbm>>
      tpu.wait_indirect_dma semaphore(%arg14 : memref<!tpu.dma_semaphore, #tpu.memory_space<semaphore_mem>>) src(%dma_wait3A_183 : memref<2048x256xf32, #tpu.memory_space<hbm>>) dst(%arg9 : memref<64x256xf32, #tpu.memory_space<vmem>>)
      %add3A_184 = arith.constant 3 : i32
      %add3A_185 = arith.addi %mul3A_128, %add3A_184 : i32
      %mul3A_186 = arith.constant 64 : i32
      %mul3A_187 = arith.muli %add3A_185, %mul3A_186 : i32
      %add3A_188 = arith.addi %mul3A_2, %mul3A_187 : i32
      %dma_start3A_189 = arith.constant 0 : i32
      %dma_start3A_190 = tpu.memref_slice %arg4[%add3A_188, %dma_start3A_189] : memref<204800x256xf32, #tpu.memory_space<hbm>> -> memref<64x256xf32, #tpu.memory_space<hbm>>
      %dma_start3A_191 = arith.constant 0 : i32
      %dma_start3A_192 = tpu.memref_slice %arg4[%add3A_188, %dma_start3A_191] : memref<204800x256xf32, #tpu.memory_space<hbm>> -> memref<64x256xf32, #tpu.memory_space<hbm>>
      tpu.enqueue_dma source(%arg9 : memref<64x256xf32, #tpu.memory_space<vmem>>) target(%dma_start3A_192 : memref<64x256xf32, #tpu.memory_space<hbm>>) target_semaphore(%arg19 : memref<!tpu.dma_semaphore, #tpu.memory_space<semaphore_mem>>)
      %dma_wait3A_193 = arith.constant 0 : i32
      %dma_wait3A_194 = arith.constant 0 : i32
      %dma_wait3A_195 = tpu.memref_slice %arg5[%dma_wait3A_193, %dma_wait3A_194] : memref<100x64xi32, #tpu.memory_space<vmem>> -> memref<1x64xi32, #tpu.memory_space<vmem>>
      %dma_wait3A_196 = tpu.memref_squeeze %dma_wait3A_195 : memref<1x64xi32, #tpu.memory_space<vmem>> -> memref<64xi32, #tpu.memory_space<vmem>>
      %dma_wait3A_197 = arith.constant 0 : i32
      %dma_wait3A_198 = arith.constant 0 : i32
      %dma_wait3A_199 = tpu.memref_slice %arg2[%dma_wait3A_197, %dma_wait3A_198] : memref<2048x256xf32, #tpu.memory_space<hbm>> -> memref<2048x256xf32, #tpu.memory_space<hbm>>
      tpu.wait_indirect_dma semaphore(%arg15 : memref<!tpu.dma_semaphore, #tpu.memory_space<semaphore_mem>>) src(%dma_wait3A_199 : memref<2048x256xf32, #tpu.memory_space<hbm>>) dst(%arg10 : memref<64x256xf32, #tpu.memory_space<vmem>>)
      %add3A_200 = arith.constant 4 : i32
      %add3A_201 = arith.addi %mul3A_128, %add3A_200 : i32
      %mul3A_202 = arith.constant 64 : i32
      %mul3A_203 = arith.muli %add3A_201, %mul3A_202 : i32
      %add3A_204 = arith.addi %mul3A_2, %mul3A_203 : i32
      %dma_start3A_205 = arith.constant 0 : i32
      %dma_start3A_206 = tpu.memref_slice %arg4[%add3A_204, %dma_start3A_205] : memref<204800x256xf32, #tpu.memory_space<hbm>> -> memref<64x256xf32, #tpu.memory_space<hbm>>
      %dma_start3A_207 = arith.constant 0 : i32
      %dma_start3A_208 = tpu.memref_slice %arg4[%add3A_204, %dma_start3A_207] : memref<204800x256xf32, #tpu.memory_space<hbm>> -> memref<64x256xf32, #tpu.memory_space<hbm>>
      tpu.enqueue_dma source(%arg10 : memref<64x256xf32, #tpu.memory_space<vmem>>) target(%dma_start3A_208 : memref<64x256xf32, #tpu.memory_space<hbm>>) target_semaphore(%arg20 : memref<!tpu.dma_semaphore, #tpu.memory_space<semaphore_mem>>)
      %dma_wait3A_209 = arith.constant 0 : i32
      %dma_wait3A_210 = tpu.memref_slice %arg4[%mul3A_2, %dma_wait3A_209] : memref<204800x256xf32, #tpu.memory_space<hbm>> -> memref<64x256xf32, #tpu.memory_space<hbm>>
      %dma_wait3A_211 = arith.constant 0 : i32
      %dma_wait3A_212 = tpu.memref_slice %arg4[%mul3A_2, %dma_wait3A_211] : memref<204800x256xf32, #tpu.memory_space<hbm>> -> memref<64x256xf32, #tpu.memory_space<hbm>>
      tpu.wait_dma2 semaphore(%arg16 : memref<!tpu.dma_semaphore, #tpu.memory_space<semaphore_mem>>) src(%arg6 : memref<64x256xf32, #tpu.memory_space<vmem>>) dst(%dma_wait3A_212 : memref<64x256xf32, #tpu.memory_space<hbm>>)
      %add3A_213 = arith.constant 5 : i32
      %add3A_214 = arith.addi %mul3A_128, %add3A_213 : i32
      %add3A_215 = arith.constant 0 : i32
      %add3A_216 = arith.addi %add3A_214, %add3A_215 : i32
      %dma_start3A_217 = arith.constant 0 : i32
      %dma_start3A_218 = tpu.memref_slice %arg5[%add3A_216, %dma_start3A_217] : memref<100x64xi32, #tpu.memory_space<vmem>> -> memref<1x64xi32, #tpu.memory_space<vmem>>
      %dma_start3A_219 = tpu.memref_squeeze %dma_start3A_218 : memref<1x64xi32, #tpu.memory_space<vmem>> -> memref<64xi32, #tpu.memory_space<vmem>>
      %dma_start3A_220 = arith.constant 0 : i32
      %dma_start3A_221 = arith.constant 0 : i32
      %dma_start3A_222 = tpu.memref_slice %arg2[%dma_start3A_220, %dma_start3A_221] : memref<2048x256xf32, #tpu.memory_space<hbm>> -> memref<2048x256xf32, #tpu.memory_space<hbm>>
      tpu.enqueue_indirect_dma source(%dma_start3A_222 : memref<2048x256xf32, #tpu.memory_space<hbm>>) target(%arg6 : memref<64x256xf32, #tpu.memory_space<vmem>>) offsets(%dma_start3A_219 : memref<64xi32, #tpu.memory_space<vmem>>) semaphore(%arg11 : memref<!tpu.dma_semaphore, #tpu.memory_space<semaphore_mem>>)
      %dma_wait3A_223 = arith.constant 0 : i32
      %dma_wait3A_224 = tpu.memref_slice %arg4[%mul3A_2, %dma_wait3A_223] : memref<204800x256xf32, #tpu.memory_space<hbm>> -> memref<64x256xf32, #tpu.memory_space<hbm>>
      %dma_wait3A_225 = arith.constant 0 : i32
      %dma_wait3A_226 = tpu.memref_slice %arg4[%mul3A_2, %dma_wait3A_225] : memref<204800x256xf32, #tpu.memory_space<hbm>> -> memref<64x256xf32, #tpu.memory_space<hbm>>
      tpu.wait_dma2 semaphore(%arg17 : memref<!tpu.dma_semaphore, #tpu.memory_space<semaphore_mem>>) src(%arg7 : memref<64x256xf32, #tpu.memory_space<vmem>>) dst(%dma_wait3A_226 : memref<64x256xf32, #tpu.memory_space<hbm>>)
      %add3A_227 = arith.constant 5 : i32
      %add3A_228 = arith.addi %mul3A_128, %add3A_227 : i32
      %add3A_229 = arith.constant 1 : i32
      %add3A_230 = arith.addi %add3A_228, %add3A_229 : i32
      %dma_start3A_231 = arith.constant 0 : i32
      %dma_start3A_232 = tpu.memref_slice %arg5[%add3A_230, %dma_start3A_231] : memref<100x64xi32, #tpu.memory_space<vmem>> -> memref<1x64xi32, #tpu.memory_space<vmem>>
      %dma_start3A_233 = tpu.memref_squeeze %dma_start3A_232 : memref<1x64xi32, #tpu.memory_space<vmem>> -> memref<64xi32, #tpu.memory_space<vmem>>
      %dma_start3A_234 = arith.constant 0 : i32
      %dma_start3A_235 = arith.constant 0 : i32
      %dma_start3A_236 = tpu.memref_slice %arg2[%dma_start3A_234, %dma_start3A_235] : memref<2048x256xf32, #tpu.memory_space<hbm>> -> memref<2048x256xf32, #tpu.memory_space<hbm>>
      tpu.enqueue_indirect_dma source(%dma_start3A_236 : memref<2048x256xf32, #tpu.memory_space<hbm>>) target(%arg7 : memref<64x256xf32, #tpu.memory_space<vmem>>) offsets(%dma_start3A_233 : memref<64xi32, #tpu.memory_space<vmem>>) semaphore(%arg12 : memref<!tpu.dma_semaphore, #tpu.memory_space<semaphore_mem>>)
      %dma_wait3A_237 = arith.constant 0 : i32
      %dma_wait3A_238 = tpu.memref_slice %arg4[%mul3A_2, %dma_wait3A_237] : memref<204800x256xf32, #tpu.memory_space<hbm>> -> memref<64x256xf32, #tpu.memory_space<hbm>>
      %dma_wait3A_239 = arith.constant 0 : i32
      %dma_wait3A_240 = tpu.memref_slice %arg4[%mul3A_2, %dma_wait3A_239] : memref<204800x256xf32, #tpu.memory_space<hbm>> -> memref<64x256xf32, #tpu.memory_space<hbm>>
      tpu.wait_dma2 semaphore(%arg18 : memref<!tpu.dma_semaphore, #tpu.memory_space<semaphore_mem>>) src(%arg8 : memref<64x256xf32, #tpu.memory_space<vmem>>) dst(%dma_wait3A_240 : memref<64x256xf32, #tpu.memory_space<hbm>>)
      %add3A_241 = arith.constant 5 : i32
      %add3A_242 = arith.addi %mul3A_128, %add3A_241 : i32
      %add3A_243 = arith.constant 2 : i32
      %add3A_244 = arith.addi %add3A_242, %add3A_243 : i32
      %dma_start3A_245 = arith.constant 0 : i32
      %dma_start3A_246 = tpu.memref_slice %arg5[%add3A_244, %dma_start3A_245] : memref<100x64xi32, #tpu.memory_space<vmem>> -> memref<1x64xi32, #tpu.memory_space<vmem>>
      %dma_start3A_247 = tpu.memref_squeeze %dma_start3A_246 : memref<1x64xi32, #tpu.memory_space<vmem>> -> memref<64xi32, #tpu.memory_space<vmem>>
      %dma_start3A_248 = arith.constant 0 : i32
      %dma_start3A_249 = arith.constant 0 : i32
      %dma_start3A_250 = tpu.memref_slice %arg2[%dma_start3A_248, %dma_start3A_249] : memref<2048x256xf32, #tpu.memory_space<hbm>> -> memref<2048x256xf32, #tpu.memory_space<hbm>>
      tpu.enqueue_indirect_dma source(%dma_start3A_250 : memref<2048x256xf32, #tpu.memory_space<hbm>>) target(%arg8 : memref<64x256xf32, #tpu.memory_space<vmem>>) offsets(%dma_start3A_247 : memref<64xi32, #tpu.memory_space<vmem>>) semaphore(%arg13 : memref<!tpu.dma_semaphore, #tpu.memory_space<semaphore_mem>>)
      %dma_wait3A_251 = arith.constant 0 : i32
      %dma_wait3A_252 = tpu.memref_slice %arg4[%mul3A_2, %dma_wait3A_251] : memref<204800x256xf32, #tpu.memory_space<hbm>> -> memref<64x256xf32, #tpu.memory_space<hbm>>
      %dma_wait3A_253 = arith.constant 0 : i32
      %dma_wait3A_254 = tpu.memref_slice %arg4[%mul3A_2, %dma_wait3A_253] : memref<204800x256xf32, #tpu.memory_space<hbm>> -> memref<64x256xf32, #tpu.memory_space<hbm>>
      tpu.wait_dma2 semaphore(%arg19 : memref<!tpu.dma_semaphore, #tpu.memory_space<semaphore_mem>>) src(%arg9 : memref<64x256xf32, #tpu.memory_space<vmem>>) dst(%dma_wait3A_254 : memref<64x256xf32, #tpu.memory_space<hbm>>)
      %add3A_255 = arith.constant 5 : i32
      %add3A_256 = arith.addi %mul3A_128, %add3A_255 : i32
      %add3A_257 = arith.constant 3 : i32
      %add3A_258 = arith.addi %add3A_256, %add3A_257 : i32
      %dma_start3A_259 = arith.constant 0 : i32
      %dma_start3A_260 = tpu.memref_slice %arg5[%add3A_258, %dma_start3A_259] : memref<100x64xi32, #tpu.memory_space<vmem>> -> memref<1x64xi32, #tpu.memory_space<vmem>>
      %dma_start3A_261 = tpu.memref_squeeze %dma_start3A_260 : memref<1x64xi32, #tpu.memory_space<vmem>> -> memref<64xi32, #tpu.memory_space<vmem>>
      %dma_start3A_262 = arith.constant 0 : i32
      %dma_start3A_263 = arith.constant 0 : i32
      %dma_start3A_264 = tpu.memref_slice %arg2[%dma_start3A_262, %dma_start3A_263] : memref<2048x256xf32, #tpu.memory_space<hbm>> -> memref<2048x256xf32, #tpu.memory_space<hbm>>
      tpu.enqueue_indirect_dma source(%dma_start3A_264 : memref<2048x256xf32, #tpu.memory_space<hbm>>) target(%arg9 : memref<64x256xf32, #tpu.memory_space<vmem>>) offsets(%dma_start3A_261 : memref<64xi32, #tpu.memory_space<vmem>>) semaphore(%arg14 : memref<!tpu.dma_semaphore, #tpu.memory_space<semaphore_mem>>)
      %dma_wait3A_265 = arith.constant 0 : i32
      %dma_wait3A_266 = tpu.memref_slice %arg4[%mul3A_2, %dma_wait3A_265] : memref<204800x256xf32, #tpu.memory_space<hbm>> -> memref<64x256xf32, #tpu.memory_space<hbm>>
      %dma_wait3A_267 = arith.constant 0 : i32
      %dma_wait3A_268 = tpu.memref_slice %arg4[%mul3A_2, %dma_wait3A_267] : memref<204800x256xf32, #tpu.memory_space<hbm>> -> memref<64x256xf32, #tpu.memory_space<hbm>>
      tpu.wait_dma2 semaphore(%arg20 : memref<!tpu.dma_semaphore, #tpu.memory_space<semaphore_mem>>) src(%arg10 : memref<64x256xf32, #tpu.memory_space<vmem>>) dst(%dma_wait3A_268 : memref<64x256xf32, #tpu.memory_space<hbm>>)
      %add3A_269 = arith.constant 5 : i32
      %add3A_270 = arith.addi %mul3A_128, %add3A_269 : i32
      %add3A_271 = arith.constant 4 : i32
      %add3A_272 = arith.addi %add3A_270, %add3A_271 : i32
      %dma_start3A_273 = arith.constant 0 : i32
      %dma_start3A_274 = tpu.memref_slice %arg5[%add3A_272, %dma_start3A_273] : memref<100x64xi32, #tpu.memory_space<vmem>> -> memref<1x64xi32, #tpu.memory_space<vmem>>
      %dma_start3A_275 = tpu.memref_squeeze %dma_start3A_274 : memref<1x64xi32, #tpu.memory_space<vmem>> -> memref<64xi32, #tpu.memory_space<vmem>>
      %dma_start3A_276 = arith.constant 0 : i32
      %dma_start3A_277 = arith.constant 0 : i32
      %dma_start3A_278 = tpu.memref_slice %arg2[%dma_start3A_276, %dma_start3A_277] : memref<2048x256xf32, #tpu.memory_space<hbm>> -> memref<2048x256xf32, #tpu.memory_space<hbm>>
      tpu.enqueue_indirect_dma source(%dma_start3A_278 : memref<2048x256xf32, #tpu.memory_space<hbm>>) target(%arg10 : memref<64x256xf32, #tpu.memory_space<vmem>>) offsets(%dma_start3A_275 : memref<64xi32, #tpu.memory_space<vmem>>) semaphore(%arg15 : memref<!tpu.dma_semaphore, #tpu.memory_space<semaphore_mem>>)
    }
    %scan3A_41 = arith.constant 19 : i32
    %dma_wait3A = arith.constant 0 : i32
    %dma_wait3A_42 = arith.constant 0 : i32
    %dma_wait3A_43 = tpu.memref_slice %arg5[%dma_wait3A, %dma_wait3A_42] : memref<100x64xi32, #tpu.memory_space<vmem>> -> memref<1x64xi32, #tpu.memory_space<vmem>>
    %dma_wait3A_44 = tpu.memref_squeeze %dma_wait3A_43 : memref<1x64xi32, #tpu.memory_space<vmem>> -> memref<64xi32, #tpu.memory_space<vmem>>
    %dma_wait3A_45 = arith.constant 0 : i32
    %dma_wait3A_46 = arith.constant 0 : i32
    %dma_wait3A_47 = tpu.memref_slice %arg2[%dma_wait3A_45, %dma_wait3A_46] : memref<2048x256xf32, #tpu.memory_space<hbm>> -> memref<2048x256xf32, #tpu.memory_space<hbm>>
    tpu.wait_indirect_dma semaphore(%arg11 : memref<!tpu.dma_semaphore, #tpu.memory_space<semaphore_mem>>) src(%dma_wait3A_47 : memref<2048x256xf32, #tpu.memory_space<hbm>>) dst(%arg6 : memref<64x256xf32, #tpu.memory_space<vmem>>)
    %add3A_48 = arith.constant 6080 : i32
    %add3A_49 = arith.addi %mul3A_2, %add3A_48 : i32
    %dma_start3A_50 = arith.constant 0 : i32
    %dma_start3A_51 = tpu.memref_slice %arg4[%add3A_49, %dma_start3A_50] : memref<204800x256xf32, #tpu.memory_space<hbm>> -> memref<64x256xf32, #tpu.memory_space<hbm>>
    %dma_start3A_52 = arith.constant 0 : i32
    %dma_start3A_53 = tpu.memref_slice %arg4[%add3A_49, %dma_start3A_52] : memref<204800x256xf32, #tpu.memory_space<hbm>> -> memref<64x256xf32, #tpu.memory_space<hbm>>
    tpu.enqueue_dma source(%arg6 : memref<64x256xf32, #tpu.memory_space<vmem>>) target(%dma_start3A_53 : memref<64x256xf32, #tpu.memory_space<hbm>>) target_semaphore(%arg16 : memref<!tpu.dma_semaphore, #tpu.memory_space<semaphore_mem>>)
    %dma_wait3A_54 = arith.constant 0 : i32
    %dma_wait3A_55 = arith.constant 0 : i32
    %dma_wait3A_56 = tpu.memref_slice %arg5[%dma_wait3A_54, %dma_wait3A_55] : memref<100x64xi32, #tpu.memory_space<vmem>> -> memref<1x64xi32, #tpu.memory_space<vmem>>
    %dma_wait3A_57 = tpu.memref_squeeze %dma_wait3A_56 : memref<1x64xi32, #tpu.memory_space<vmem>> -> memref<64xi32, #tpu.memory_space<vmem>>
    %dma_wait3A_58 = arith.constant 0 : i32
    %dma_wait3A_59 = arith.constant 0 : i32
    %dma_wait3A_60 = tpu.memref_slice %arg2[%dma_wait3A_58, %dma_wait3A_59] : memref<2048x256xf32, #tpu.memory_space<hbm>> -> memref<2048x256xf32, #tpu.memory_space<hbm>>
    tpu.wait_indirect_dma semaphore(%arg12 : memref<!tpu.dma_semaphore, #tpu.memory_space<semaphore_mem>>) src(%dma_wait3A_60 : memref<2048x256xf32, #tpu.memory_space<hbm>>) dst(%arg7 : memref<64x256xf32, #tpu.memory_space<vmem>>)
    %add3A_61 = arith.constant 6144 : i32
    %add3A_62 = arith.addi %mul3A_2, %add3A_61 : i32
    %dma_start3A_63 = arith.constant 0 : i32
    %dma_start3A_64 = tpu.memref_slice %arg4[%add3A_62, %dma_start3A_63] : memref<204800x256xf32, #tpu.memory_space<hbm>> -> memref<64x256xf32, #tpu.memory_space<hbm>>
    %dma_start3A_65 = arith.constant 0 : i32
    %dma_start3A_66 = tpu.memref_slice %arg4[%add3A_62, %dma_start3A_65] : memref<204800x256xf32, #tpu.memory_space<hbm>> -> memref<64x256xf32, #tpu.memory_space<hbm>>
    tpu.enqueue_dma source(%arg7 : memref<64x256xf32, #tpu.memory_space<vmem>>) target(%dma_start3A_66 : memref<64x256xf32, #tpu.memory_space<hbm>>) target_semaphore(%arg17 : memref<!tpu.dma_semaphore, #tpu.memory_space<semaphore_mem>>)
    %dma_wait3A_67 = arith.constant 0 : i32
    %dma_wait3A_68 = arith.constant 0 : i32
    %dma_wait3A_69 = tpu.memref_slice %arg5[%dma_wait3A_67, %dma_wait3A_68] : memref<100x64xi32, #tpu.memory_space<vmem>> -> memref<1x64xi32, #tpu.memory_space<vmem>>
    %dma_wait3A_70 = tpu.memref_squeeze %dma_wait3A_69 : memref<1x64xi32, #tpu.memory_space<vmem>> -> memref<64xi32, #tpu.memory_space<vmem>>
    %dma_wait3A_71 = arith.constant 0 : i32
    %dma_wait3A_72 = arith.constant 0 : i32
    %dma_wait3A_73 = tpu.memref_slice %arg2[%dma_wait3A_71, %dma_wait3A_72] : memref<2048x256xf32, #tpu.memory_space<hbm>> -> memref<2048x256xf32, #tpu.memory_space<hbm>>
    tpu.wait_indirect_dma semaphore(%arg13 : memref<!tpu.dma_semaphore, #tpu.memory_space<semaphore_mem>>) src(%dma_wait3A_73 : memref<2048x256xf32, #tpu.memory_space<hbm>>) dst(%arg8 : memref<64x256xf32, #tpu.memory_space<vmem>>)
    %add3A_74 = arith.constant 6208 : i32
    %add3A_75 = arith.addi %mul3A_2, %add3A_74 : i32
    %dma_start3A_76 = arith.constant 0 : i32
    %dma_start3A_77 = tpu.memref_slice %arg4[%add3A_75, %dma_start3A_76] : memref<204800x256xf32, #tpu.memory_space<hbm>> -> memref<64x256xf32, #tpu.memory_space<hbm>>
    %dma_start3A_78 = arith.constant 0 : i32
    %dma_start3A_79 = tpu.memref_slice %arg4[%add3A_75, %dma_start3A_78] : memref<204800x256xf32, #tpu.memory_space<hbm>> -> memref<64x256xf32, #tpu.memory_space<hbm>>
    tpu.enqueue_dma source(%arg8 : memref<64x256xf32, #tpu.memory_space<vmem>>) target(%dma_start3A_79 : memref<64x256xf32, #tpu.memory_space<hbm>>) target_semaphore(%arg18 : memref<!tpu.dma_semaphore, #tpu.memory_space<semaphore_mem>>)
    %dma_wait3A_80 = arith.constant 0 : i32
    %dma_wait3A_81 = arith.constant 0 : i32
    %dma_wait3A_82 = tpu.memref_slice %arg5[%dma_wait3A_80, %dma_wait3A_81] : memref<100x64xi32, #tpu.memory_space<vmem>> -> memref<1x64xi32, #tpu.memory_space<vmem>>
    %dma_wait3A_83 = tpu.memref_squeeze %dma_wait3A_82 : memref<1x64xi32, #tpu.memory_space<vmem>> -> memref<64xi32, #tpu.memory_space<vmem>>
    %dma_wait3A_84 = arith.constant 0 : i32
    %dma_wait3A_85 = arith.constant 0 : i32
    %dma_wait3A_86 = tpu.memref_slice %arg2[%dma_wait3A_84, %dma_wait3A_85] : memref<2048x256xf32, #tpu.memory_space<hbm>> -> memref<2048x256xf32, #tpu.memory_space<hbm>>
    tpu.wait_indirect_dma semaphore(%arg14 : memref<!tpu.dma_semaphore, #tpu.memory_space<semaphore_mem>>) src(%dma_wait3A_86 : memref<2048x256xf32, #tpu.memory_space<hbm>>) dst(%arg9 : memref<64x256xf32, #tpu.memory_space<vmem>>)
    %add3A_87 = arith.constant 6272 : i32
    %add3A_88 = arith.addi %mul3A_2, %add3A_87 : i32
    %dma_start3A_89 = arith.constant 0 : i32
    %dma_start3A_90 = tpu.memref_slice %arg4[%add3A_88, %dma_start3A_89] : memref<204800x256xf32, #tpu.memory_space<hbm>> -> memref<64x256xf32, #tpu.memory_space<hbm>>
    %dma_start3A_91 = arith.constant 0 : i32
    %dma_start3A_92 = tpu.memref_slice %arg4[%add3A_88, %dma_start3A_91] : memref<204800x256xf32, #tpu.memory_space<hbm>> -> memref<64x256xf32, #tpu.memory_space<hbm>>
    tpu.enqueue_dma source(%arg9 : memref<64x256xf32, #tpu.memory_space<vmem>>) target(%dma_start3A_92 : memref<64x256xf32, #tpu.memory_space<hbm>>) target_semaphore(%arg19 : memref<!tpu.dma_semaphore, #tpu.memory_space<semaphore_mem>>)
    %dma_wait3A_93 = arith.constant 0 : i32
    %dma_wait3A_94 = arith.constant 0 : i32
    %dma_wait3A_95 = tpu.memref_slice %arg5[%dma_wait3A_93, %dma_wait3A_94] : memref<100x64xi32, #tpu.memory_space<vmem>> -> memref<1x64xi32, #tpu.memory_space<vmem>>
    %dma_wait3A_96 = tpu.memref_squeeze %dma_wait3A_95 : memref<1x64xi32, #tpu.memory_space<vmem>> -> memref<64xi32, #tpu.memory_space<vmem>>
    %dma_wait3A_97 = arith.constant 0 : i32
    %dma_wait3A_98 = arith.constant 0 : i32
    %dma_wait3A_99 = tpu.memref_slice %arg2[%dma_wait3A_97, %dma_wait3A_98] : memref<2048x256xf32, #tpu.memory_space<hbm>> -> memref<2048x256xf32, #tpu.memory_space<hbm>>
    tpu.wait_indirect_dma semaphore(%arg15 : memref<!tpu.dma_semaphore, #tpu.memory_space<semaphore_mem>>) src(%dma_wait3A_99 : memref<2048x256xf32, #tpu.memory_space<hbm>>) dst(%arg10 : memref<64x256xf32, #tpu.memory_space<vmem>>)
    %add3A_100 = arith.constant 6336 : i32
    %add3A_101 = arith.addi %mul3A_2, %add3A_100 : i32
    %dma_start3A_102 = arith.constant 0 : i32
    %dma_start3A_103 = tpu.memref_slice %arg4[%add3A_101, %dma_start3A_102] : memref<204800x256xf32, #tpu.memory_space<hbm>> -> memref<64x256xf32, #tpu.memory_space<hbm>>
    %dma_start3A_104 = arith.constant 0 : i32
    %dma_start3A_105 = tpu.memref_slice %arg4[%add3A_101, %dma_start3A_104] : memref<204800x256xf32, #tpu.memory_space<hbm>> -> memref<64x256xf32, #tpu.memory_space<hbm>>
    tpu.enqueue_dma source(%arg10 : memref<64x256xf32, #tpu.memory_space<vmem>>) target(%dma_start3A_105 : memref<64x256xf32, #tpu.memory_space<hbm>>) target_semaphore(%arg20 : memref<!tpu.dma_semaphore, #tpu.memory_space<semaphore_mem>>)
    %dma_wait3A_106 = arith.constant 0 : i32
    %dma_wait3A_107 = tpu.memref_slice %arg4[%mul3A_2, %dma_wait3A_106] : memref<204800x256xf32, #tpu.memory_space<hbm>> -> memref<64x256xf32, #tpu.memory_space<hbm>>
    %dma_wait3A_108 = arith.constant 0 : i32
    %dma_wait3A_109 = tpu.memref_slice %arg4[%mul3A_2, %dma_wait3A_108] : memref<204800x256xf32, #tpu.memory_space<hbm>> -> memref<64x256xf32, #tpu.memory_space<hbm>>
    tpu.wait_dma2 semaphore(%arg16 : memref<!tpu.dma_semaphore, #tpu.memory_space<semaphore_mem>>) src(%arg6 : memref<64x256xf32, #tpu.memory_space<vmem>>) dst(%dma_wait3A_109 : memref<64x256xf32, #tpu.memory_space<hbm>>)
    %dma_wait3A_110 = arith.constant 0 : i32
    %dma_wait3A_111 = tpu.memref_slice %arg4[%mul3A_2, %dma_wait3A_110] : memref<204800x256xf32, #tpu.memory_space<hbm>> -> memref<64x256xf32, #tpu.memory_space<hbm>>
    %dma_wait3A_112 = arith.constant 0 : i32
    %dma_wait3A_113 = tpu.memref_slice %arg4[%mul3A_2, %dma_wait3A_112] : memref<204800x256xf32, #tpu.memory_space<hbm>> -> memref<64x256xf32, #tpu.memory_space<hbm>>
    tpu.wait_dma2 semaphore(%arg17 : memref<!tpu.dma_semaphore, #tpu.memory_space<semaphore_mem>>) src(%arg7 : memref<64x256xf32, #tpu.memory_space<vmem>>) dst(%dma_wait3A_113 : memref<64x256xf32, #tpu.memory_space<hbm>>)
    %dma_wait3A_114 = arith.constant 0 : i32
    %dma_wait3A_115 = tpu.memref_slice %arg4[%mul3A_2, %dma_wait3A_114] : memref<204800x256xf32, #tpu.memory_space<hbm>> -> memref<64x256xf32, #tpu.memory_space<hbm>>
    %dma_wait3A_116 = arith.constant 0 : i32
    %dma_wait3A_117 = tpu.memref_slice %arg4[%mul3A_2, %dma_wait3A_116] : memref<204800x256xf32, #tpu.memory_space<hbm>> -> memref<64x256xf32, #tpu.memory_space<hbm>>
    tpu.wait_dma2 semaphore(%arg18 : memref<!tpu.dma_semaphore, #tpu.memory_space<semaphore_mem>>) src(%arg8 : memref<64x256xf32, #tpu.memory_space<vmem>>) dst(%dma_wait3A_117 : memref<64x256xf32, #tpu.memory_space<hbm>>)
    %dma_wait3A_118 = arith.constant 0 : i32
    %dma_wait3A_119 = tpu.memref_slice %arg4[%mul3A_2, %dma_wait3A_118] : memref<204800x256xf32, #tpu.memory_space<hbm>> -> memref<64x256xf32, #tpu.memory_space<hbm>>
    %dma_wait3A_120 = arith.constant 0 : i32
    %dma_wait3A_121 = tpu.memref_slice %arg4[%mul3A_2, %dma_wait3A_120] : memref<204800x256xf32, #tpu.memory_space<hbm>> -> memref<64x256xf32, #tpu.memory_space<hbm>>
    tpu.wait_dma2 semaphore(%arg19 : memref<!tpu.dma_semaphore, #tpu.memory_space<semaphore_mem>>) src(%arg9 : memref<64x256xf32, #tpu.memory_space<vmem>>) dst(%dma_wait3A_121 : memref<64x256xf32, #tpu.memory_space<hbm>>)
    %dma_wait3A_122 = arith.constant 0 : i32
    %dma_wait3A_123 = tpu.memref_slice %arg4[%mul3A_2, %dma_wait3A_122] : memref<204800x256xf32, #tpu.memory_space<hbm>> -> memref<64x256xf32, #tpu.memory_space<hbm>>
    %dma_wait3A_124 = arith.constant 0 : i32
    %dma_wait3A_125 = tpu.memref_slice %arg4[%mul3A_2, %dma_wait3A_124] : memref<204800x256xf32, #tpu.memory_space<hbm>> -> memref<64x256xf32, #tpu.memory_space<hbm>>
    tpu.wait_dma2 semaphore(%arg20 : memref<!tpu.dma_semaphore, #tpu.memory_space<semaphore_mem>>) src(%arg10 : memref<64x256xf32, #tpu.memory_space<vmem>>) dst(%dma_wait3A_125 : memref<64x256xf32, #tpu.memory_space<hbm>>)
    return
  }
}

module attributes {stable_mosaic.version = 14 : i64} {
  func.func @_mm_body(%arg0: memref<2048x512xf32, #tpu.memory_space<vmem>>, %arg1: memref<512x256xf32, #tpu.memory_space<vmem>>, %arg2: memref<1x256xf32, #tpu.memory_space<vmem>>, %arg3: memref<2048x256xf32, #tpu.memory_space<vmem>>) attributes {dimension_semantics = [], scalar_prefetch = 0 : i64, scratch_operands = 0 : i64, tpu.core_type = #tpu.core_type<tc>} {
    %get3A = arith.constant 0 : index
    %get3A_0 = arith.constant 0 : index
    %get3A_1 = vector.load %arg0[%get3A, %get3A_0] : memref<2048x512xf32, #tpu.memory_space<vmem>>, vector<2048x512xf32>
    %get3A_2 = arith.constant 0 : index
    %get3A_3 = arith.constant 0 : index
    %get3A_4 = vector.load %arg1[%get3A_2, %get3A_3] : memref<512x256xf32, #tpu.memory_space<vmem>>, vector<512x256xf32>
    %dot_general3A = arith.constant dense<0.000000e+00> : vector<2048x256xf32>
    %dot_general3A_5 = tpu.matmul %get3A_1, %get3A_4, %dot_general3A {dimension_numbers = #tpu.dot_dimension_numbers<[1], [0], [0], [1], [0, 0, 1, 1], [], []>, transpose_lhs_hint = false} : vector<2048x512xf32>, vector<512x256xf32>, vector<2048x256xf32> -> vector<2048x256xf32>
    %get3A_6 = arith.constant 0 : index
    %get3A_7 = arith.constant 0 : index
    %get3A_8 = vector.load %arg2[%get3A_6, %get3A_7] : memref<1x256xf32, #tpu.memory_space<vmem>>, vector<1x256xf32>
    %add3A = vector.broadcast %get3A_8 : vector<1x256xf32> to vector<2048x256xf32>
    %add3A_9 = arith.addf %dot_general3A_5, %add3A : vector<2048x256xf32>
    %swap3A = arith.constant 0 : index
    %swap3A_10 = arith.constant 0 : index
    %swap3A_11 = vector.load %arg3[%swap3A, %swap3A_10] : memref<2048x256xf32, #tpu.memory_space<vmem>>, vector<2048x256xf32>
    tpu.vector_store %arg3[%swap3A, %swap3A_10], %add3A_9 {strides = array<i32>} : memref<2048x256xf32, #tpu.memory_space<vmem>>, vector<2048x256xf32>,
    return
  }
}

</mosaic_0001>

<sc_bundles>
// kernel: kernel.4.cloned.1.call-start
scs
__scs_entry_jumppad:
0x0: {  	(pc) =	sbr.rel $0x88, $3  }
0x1: {  	(tag) =	ssettag $0x0;
	lr =	simm.s32 $0x1  }
0x2: {  	[smem:$0x3F9E] =	sst lr;
	_ =	strace $0xD0000000  }
0x3: {  	_ = 	snop  }
0x4: {  	_ = 	snop  }
0x5: {  	_ = 	snop  }
0x6: {  	_ = 	snop  }
0x7: {  	_ = 	snop  }
__scs_overlays_trampoline_lowered:
0x8: {  	[smem:$0x3FAD] =	sst s0  }
0x9: {  	[smem:$0x3FAE] =	sst s1  }
0xa: {  	[smem:$0x3FAF] =	sst s2  }
0xb: {  	[smem:$0x3FB0] =	sst s3  }
0xc: {  	[smem:$0x3FB1] =	sst s4  }
0xd: {  	[smem:$0x3FB2] =	sst s5  }
0xe: {  	[smem:$0x3FB3] =	sst s6  }
0xf: {  	[smem:$0x3FB4] =	sst s7  }
0x10: {  	[smem:$0x3FB5] =	sst s8  }
0x11: {  	[smem:$0x3FB6] =	sst s9;
	s0 =	simm.s32 @!p0 $0x0  }
0x12: {  	s1 =	sld [smem:$0x3F9C];
	s0 =	simm.s32 @p0 $0x1  }
0x13: {  	[smem:$0x3FB7] =	sst s0;
	s0 =	simm.s32 @!p1 $0x0  }
0x14: {  	s2 =	sld [smem:$0x3F9B];
	s0 =	simm.s32 @p1 $0x1  }
0x15: {  	[smem:$0x3FB8] =	sst s0;
	s0 =	simm.s32 @!p2 $0x0  }
0x16: {  	s3 =	sld [smem:$0x3FDB];
	s0 =	simm.s32 @p2 $0x1  }
0x17: {  	s4 =	simm.s32 $0x1BF5;
	[smem:$0x3FBA] =	sst s0  }
0x18: {  	s0 =	sld [smem:$0x3F9D];
	_ =	swait.ge [sflag:s4], $0x0  }
0x19: {  	s7 =	sld [smem:$0x3F9E]  }
0x1a: {  	s8 =	sadd.s32 $0xFFFFE003, lr  }
0x1b: {  	s9 =	sadd.s32 $0xFFFFFEF7, lr;
	s5 =	simm.s32 $0xFFFFFFFF;
	p2 =	slt.u32 s8, $0xFFFFF086  }
0x1c: {  	p1 =	slt.u32 s9, $0xF7A;
	s5 =	simm.s32 @!p2 $0x0  }
0x1d: {  	s5 =	simm.s32 @p1 $0x1;
	p0 =	seq.s32 s7, s2  }
0x1e: {  	s7 =	smul.u32 @!p0 $0xF7A, s2;
	p2 =	seq.s32 @!p0 s5, $0x0  }
0x1f: {  	s9 =	smul.u32 $0xF7A, s1;
	s8 =	simm.s32 @!p0 $0x1BF5;
	p2 =	por !p2, p0  }
0x20: {  	[sflag:s8] =	ssyncset.s32 @!p0 $0xFFFFF086;
	s6 =	sadd.s32 @!p0 s3, s7;
	s7 =	simm.s32 @!p0 $0x108  }
0x21: {  	s3 =	sadd.s32 s3, s9;
	s6 =	sadd.s32 @!p0 $0x88, s6;
	s7 =	simm.s32 @p2 $0x1082  }
0x22: {  	[simem:s7], [sflag:s8] =	dma.local @!p0 [hbm:s6], $0xF7A  }
0x23: {  	s9 =	sor.u32 $0xD0000000, s2;
	s6 =	simm.s32 $0x108;
	_ =	swait.ge @!p0 [sflag:s8], $0x0  }
0x24: {  	s3 =	sadd.s32 $0x88, s3;
	s6 =	simm.s32 @!p1 $0x1082;
	[sflag:s4] =	ssyncset.s32 $0xFFFFF086  }
0x25: {  	[simem:s6], [sflag:s4] =	dma.local [hbm:s3], $0xF7A  }
0x26: {  	[smem:$0x3F9E] =	sst s1;
	(tag) =	ssettag s2;
	_ =	strace s9  }
0x27: {  	s1 =	sld [smem:$0x3FAE]  }
0x28: {  	s2 =	sld [smem:$0x3FAF]  }
0x29: {  	s4 =	sld [smem:$0x3FB1]  }
0x2a: {  	p0 =	seq.s32 s5, $0x0;
	s5 =	sld [smem:$0x3FB2]  }
0x2b: {  	s6 =	sld [smem:$0x3FB3]  }
0x2c: {  	s7 =	sld [smem:$0x3FB4]  }
0x2d: {  	s3 =	simm.s32 $0x108;
	s8 =	sld [smem:$0x3FB5]  }
0x2e: {  	s3 =	simm.s32 @!p0 $0x1082;
	s9 =	sld [smem:$0x3FB6]  }
0x2f: {  	lr =	sadd.s32 s0, s3;
	s0 =	sld [smem:$0x3FAD]  }
0x30: {  	s3 =	sld [smem:$0x3FB0]  }
0x31: {  	[smem:$0x3FB9] =	sst s10  }
0x32: {  	s10 =	sld [smem:$0x3FB7];
	_ =	sdelay $0x3  }
0x33: {  	p0 =	seq.s32 s10, $0x1;
	s10 =	sld [smem:$0x3FB9];
	_ =	sdelay $0x3  }
0x34: {  	[smem:$0x3FB9] =	sst s10  }
0x35: {  	s10 =	sld [smem:$0x3FB8];
	_ =	sdelay $0x3  }
0x36: {  	p1 =	seq.s32 s10, $0x1;
	s10 =	sld [smem:$0x3FB9];
	_ =	sdelay $0x3  }
0x37: {  	[smem:$0x3FB9] =	sst s10  }
0x38: {  	s10 =	sld [smem:$0x3FBA]  }
0x39: {  	_ = 	snop;
	(pc) =	sbr.ind lr, $3  }
0x3a: {  	_ = 	snop  }
0x3b: {  	_ = 	snop  }
0x3c: {  	p2 =	seq.s32 s10, $0x1;
	s10 =	sld [smem:$0x3FB9]  }
0x3d: {  	_ =	shalt  }
0x3e: {  	_ =	shalt  }
0x3f: {  	_ =	shalt  }
0x40: {  	_ =	shalt  }
0x41: {  	_ =	shalt  }
0x42: {  	_ =	shalt  }
0x43: {  	_ =	shalt  }
0x44: {  	_ =	shalt  }
0x45: {  	_ =	shalt  }
0x46: {  	_ =	shalt  }
0x47: {  	_ =	shalt  }
0x48: {  	_ =	shalt  }
0x49: {  	_ =	shalt  }
0x4a: {  	_ =	shalt  }
0x4b: {  	_ =	shalt  }
0x4c: {  	_ =	shalt  }
0x4d: {  	_ =	shalt  }
0x4e: {  	_ =	shalt  }
0x4f: {  	_ =	shalt  }
0x50: {  	_ =	shalt  }
0x51: {  	_ =	shalt  }
0x52: {  	_ =	shalt  }
0x53: {  	_ =	shalt  }
0x54: {  	_ =	shalt  }
0x55: {  	_ =	shalt  }
0x56: {  	_ =	shalt  }
0x57: {  	_ =	shalt  }
0x58: {  	_ =	shalt  }
0x59: {  	_ =	shalt  }
0x5a: {  	_ =	shalt  }
0x5b: {  	_ =	shalt  }
0x5c: {  	_ =	shalt  }
0x5d: {  	_ =	shalt  }
0x5e: {  	_ =	shalt  }
0x5f: {  	_ =	shalt  }
0x60: {  	_ =	shalt  }
0x61: {  	_ =	shalt  }
0x62: {  	_ =	shalt  }
0x63: {  	_ =	shalt  }
0x64: {  	_ =	shalt  }
0x65: {  	_ =	shalt  }
0x66: {  	_ =	shalt  }
0x67: {  	_ =	shalt  }
0x68: {  	_ =	shalt  }
0x69: {  	_ =	shalt  }
0x6a: {  	_ =	shalt  }
0x6b: {  	_ =	shalt  }
0x6c: {  	_ =	shalt  }
0x6d: {  	_ =	shalt  }
0x6e: {  	_ =	shalt  }
0x6f: {  	_ =	shalt  }
0x70: {  	_ =	shalt  }
0x71: {  	_ =	shalt  }
0x72: {  	_ =	shalt  }
0x73: {  	_ =	shalt  }
0x74: {  	_ =	shalt  }
0x75: {  	_ =	shalt  }
0x76: {  	_ =	shalt  }
0x77: {  	_ =	shalt  }
0x78: {  	_ =	shalt  }
0x79: {  	_ =	shalt  }
0x7a: {  	_ =	shalt  }
0x7b: {  	_ =	shalt  }
0x7c: {  	_ =	shalt  }
0x7d: {  	_ =	shalt  }
0x7e: {  	_ =	shalt  }
0x7f: {  	_ =	shalt  }
0x80: {  	_ =	shalt  }
0x81: {  	_ =	shalt  }
0x82: {  	_ =	shalt  }
0x83: {  	_ =	shalt  }
0x84: {  	_ =	shalt  }
0x85: {  	_ =	shalt  }
0x86: {  	_ =	shalt  }
0x87: {  	_ =	shalt  }
.Lfunc_end0:
.L_simem_size_0:
called_computation_lowered:
.L_overlay_start_0:
0x88: {  	s2 =	sld [smem:$0x3FD9]  }
0x89: {  	s3 =	sld [smem:$0x3FFE];
	_ =	sdelay $0x1  }
0x8a: {  	s1 =	srdreg.scid  }
0x8b: {  	s0 =	sand.u32 $0x1, s1  }
0x8c: {  	s14 =	sshll.u32 s0, $0xA;
	s2 =	sadd.s32 s3, s2  }
0x8d: {  	s2 =	sadd.s32 s2, s14  }
0x8e: {  	[smem:$0x3FC5] =	sst s2  }
0x8f: {  	_ = 	snop  }
0x90: {  	s2 =	sld [smem:$0x3FD0];
	_ =	sdelay $0x2  }
0x91: {  	s15 =	simm.s32 $0xA;
	s4 =	simm.s32 $0x10  }
0x92: {  	[smem:s4], [sflag:s15] =	dma.local [hbm:s2], $0x1  }
0x93: {  	_ =	swait.eq [sflag:s15], $0x1  }
0x94: {  	[sflag:s15] =	ssyncset.done $0x0  }
0x95: {  	s16 =	sld [smem:$0x10];
	[sflag:s15] =	ssyncadd.s32 $0xFFFFFFFF  }
0x96: {  	s17 =	sld [smem:$0x11];
	(tm) =	ssettm $0x1  }
0x97: {  	s18 =	sld [smem:$0x3FFB];
	_ =	sdelay $0x3  }
0x98: {  	_ =	strace s18  }
0x99: {  	s4 =	sld [smem:$0x3FFC];
	_ =	sdelay $0x3  }
0x9a: {  	_ =	strace s4  }
0x9b: {  	s4 =	sld [smem:$0x3FFD];
	_ =	sdelay $0x3  }
0x9c: {  	_ =	strace s4  }
0x9d: {  	_ =	strace $0x8FFFFFFF  }
0x9e: {  	s19 =	sld [smem:$0x3FDB];
	_ =	sdelay $0x1  }
0x9f: {  	s5 =	simm.s32 $_scs_section_size  }
0xa0: {  	s6 =	simm.s32 $_size__tile_overlayer_lowered;
	s7 =	simm.s32 $_tile_overlayer_lowered  }
0xa1: {  	s22 =	simm.s32 $0x1BFF;
	s21 =	sshll.u32 s7, $0x1;
	s4 =	sadd.s32 s5, s19  }
0xa2: {  	s8 =	simm.s32 $0x0;
	s20 =	sshll.u32 s6, $0x1;
	s6 =	sadd.s32 s21, s4  }
0xa3: {  	[timem:s8], [sflag:s22] =	dma.local [hbm:s6], s20  }
0xa4: {  	_ =	swait.ge [sflag:s22], s20  }
0xa5: {  	s5 =	ssub.s32 $0x0, s20;
	[sflag:s22] =	ssyncset.done $0x0  }
0xa6: {  	[sflag:s22] =	ssyncadd.s32 s5;
	_ =	sdelay $0x1  }
0xa7: {  	s23 =	simm.s32 $0x1B8B  }
0xa8: {  	_ =	swait.ge [sflag:s23], $0x1  }
0xa9: {  	[sflag:s23] =	ssyncset.done $0x0  }
0xaa: {  	s25 =	simm.s32 $0x1B8E;
	s24 =	sld [smem:$0x3FFE];
	[sflag:s23] =	ssyncadd.s32 $0xFFFFFFFF  }
0xab: {  	s26 =	simm.s32 $execute0_lowered;
	[smem:$0x3FD2] =	sst s25  }
0xac: {  	s6 =	sshll.u32 s26, $0x1;
	_ =	strace $0x80000046;
	[dreg:$0x1] =	wrdreg $0xFFFFFFFF  }
0xad: {  	s28 =	simm.s32 $_size_execute0_lowered;
	s4 =	sadd.s32 s4, s6;
	[dreg:$0x0] =	wrdreg $0x0  }
0xae: {  	s6 =	sshll.u32 s28, $0x1;
	[dreg:$0x2] =	wrdreg s4  }
0xaf: {  	[dreg:$0x3] =	wrdreg s6  }
0xb0: {  	[dreg:$0x4] =	wrdreg $0xC0  }
0xb1: {  	_ =	task [dreg:s8], $0x5FFFF  }
0xb2: {  	[dreg:$0x1] =	wrdreg $0xFFFFFFFF  }
0xb3: {  	[dreg:$0x0] =	wrdreg $0x60  }
0xb4: {  	[dreg:$0x2] =	wrdreg s16  }
0xb5: {  	[dreg:$0x3] =	wrdreg s24  }
0xb6: {  	[dreg:$0x4] =	wrdreg s17  }
0xb7: {  	[dreg:$0x5] =	wrdreg $0x9  }
0xb8: {  	_ =	task.clear_ibuf [dreg:s8], $0x6FFFF;
	_ =	strace $0x90000046  }
0xb9: {  	s29 =	simm.s32 $0x9;
	_ =	strace $0x80000048  }
0xba: {  	_ =	swait.ge [sflag:s29], $0x1  }
0xbb: {  	[sflag:s29] =	ssyncadd.s32 $0xFFFFFFFF  }
0xbc: {  	_ =	strace $0x90000048  }
0xbd: {  	_ =	sfence  }
0xbe: {  	s30 =	sld [smem:$0x0];
	_ =	sdelay $0x2  }
0xbf: {  	s31 =	sshll.u32 s1, $0xD;
	s1 =	sshrl.u32 s1, $0x2  }
0xc0: {  	s3 =	sand.u32 $0x4000, s31;
	s1 =	sadd.s32 s1, s30  }
0xc1: {  	s0 =	sor.u32 s3, s0;
	s1 =	sshll.u32 s1, $0x11  }
0xc2: {  	s0 =	sor.u32 s1, s0  }
0xc3: {  	s0 =	sadd.s32 $0x8F2B, s0  }
0xc4: {  	[sflag:s0] =	ssyncadd.remote.s32 $0x1  }
0xc5: {  	_ =	sfence.sel $0xFFFF  }
0xc6: {  	[dreg:$0x0] =	wrdreg $0xFFFFFFFF;
	(pc) =	sbr.abs _section_cstart, $3  }
0xc7: {  	[dreg:$0x1] =	wrdreg $0xFFFFFFFF  }
0xc8: {  	_ =	task.clear_ibuf [dreg:s8], $0x2FFFF;
	_ =	strace $0x9FFFFFFF  }
0xc9: {  	(tm) =	ssettm $0x7FFFFFFF  }
tec
execute0_lowered:
.L_overlay_start_1:
0x0: {  	(tag) =	ssettag $0x1  }
0x1: {  	s1 =	rddreg [dreg:$0x0]  }
0x2: {  	s0 =	srdreg.scid;
	s2 =	rddreg [dreg:$0x1]  }
0x3: {  	s8 =	stileid.u32;
	s4 =	rddreg [dreg:$0x2]  }
0x4: {  	s10 =	simm.s32 $0x3C00;
	s11 =	simm.s32 $0x4400;
	s9 =	simm.s32 $0x4C00  }
0x5: {  	s13 =	simm.s32 $0x5400;
	s12 =	simm.s32 $0x5C00;
	s15 =	simm.s32 $0x6400  }
0x6: {  	s17 =	simm.s32 $0x6C00;
	s29 =	simm.s32 $0x7400;
	s14 =	simm.s32 $0xF400  }
0x7: {  	s16 =	simm.s32 $0x13400;
	s28 =	simm.s32 $0x3;
	s30 =	simm.s32 $0x4  }
0x8: {  	s0 =	sand.u32 $0x1, s0;
	s3 =	sshll.u32 s8, $0x1;
	s19 =	smul.u32 $0x64000, s8  }
0x9: {  	s5 =	sor.u32 s0, s3;
	s7 =	ssub.s32 $0x2, s0;
	s0 =	smul.u32 $0x32000, s0  }
0xa: {  	s31 =	simm.s32 $0x5;
	s3 =	simm.s32 $0x0;
	s6 =	smul.u32 $0x680, s5  }
0xb: {  	s8 =	simm.s32 $0x0;
	[smem:$0x7FF] =	sst s3;
	s5 =	smul.u32 $0x190000, s5  }
0xc: {  	s18 =	sshrl.u32 s7, $0x1;
	s23 =	sadd.s32 s19, s4;
	s19 =	simm.s32 $0x8400  }
0xd: {  	_ =	strace $0x80000047;
	s0 =	sadd.s32 s0, s23;
	s23 =	simm.s32 $0x9C00  }
0xe: {  	[dreg:$0xc] =	wrdreg s8;
	s2 =	sadd.s32 s6, s2;
	s5 =	sshrl.u32 s5, $0x3  }
0xf: {  	s6 =	ssub.s32 s7, s18;
	[dreg:$0x4] =	wrdreg s0;
	s18 =	simm.s32 $0x7C00  }
0x10: {  	s7 =	simm.s32 $0xB400;
	s0 =	simm.s32 $0x7;
	s2 =	sadd.s32 $0x1400, s2  }
0x11: {  	s5 =	sadd.s32 s4, s5;
	s26 =	smax.u32 s6, $0x1;
	[dreg:$0x5] =	wrdreg s2  }
0x12: {  	s4 =	simm.s32 $0x8;
	s20 =	sadd.s32 $0x2F800, s5;
	[dreg:$0xb] =	wrdreg s26  }
0x13: {  	s6 =	simm.s32 $0xA;
	s21 =	sadd.s32 $0x30000, s5;
	[dreg:$0x6] =	wrdreg s20  }
0x14: {  	s22 =	sadd.s32 $0x30800, s5;
	s24 =	sadd.s32 $0x31000, s5;
	[dreg:$0x7] =	wrdreg s21  }
0x15: {  	s25 =	sadd.s32 $0x31800, s5;
	s26 =	simm.s32 $0x2;
	[dreg:$0x8] =	wrdreg s22  }
0x16: {  	v2 =	vlaneseq.u32;
	s2 =	simm.s32 $0x6;
	s5 =	simm.s32 $0x9;
	[dreg:$0x9] =	wrdreg s24  }
0x17: {  	vm0 =	vmmov $0xffff;
	v1 =	vshrl.u32 v2, $0x3;
	[dreg:$0xa] =	wrdreg s25;
	s20 =	simm.s32 $0x3400;
	s21 =	simm.s32 $0x8C00  }
0x18: {  	v0 =	vand.u32 $0x7, v2;
	v2 =	vor.u32 $0x8, v2;
	v1 =	vmul.u32 $0x8, v1;
	s22 =	simm.s32 $0x9400;
	s24 =	simm.s32 $0xAC00;
	s25 =	simm.s32 $0x1  }
.LBB2_1:
0x19: {  	s8 =	rddreg [dreg:$0x5]  }
0x1a: {  	[tilespmem:s3], [sflag:$0xB] =	stream.linear.gather [hbm4b:s8+s3], $0x3200, $0x38;
	[tilespmem:$0x17400] =	vst v63  }
0x1b: {  	s8 =	simm.s32 $0xB  }
0x1c: {  	_ =	swait.ge [sflag:s8], $0x3200  }
0x1d: {  	[sflag:s8] =	ssyncset.done $0x0  }
0x1e: {  	[sflag:s8] =	ssyncadd.s32 $0xFFFFCE00  }
0x1f: {  	v3 =	vld [tilespmem:$0x0];
	_ =	sdelay $0x4  }
0x20: {  	v4 =	vshll.u32 v3, $0x1  }
0x21: {  	v3 =	vand.u32 $0x7, v3;
	v4 =	vand.u32 $0xFFFFFFF0, v4  }
0x22: {  	v3 =	vor.u32 v3, v4  }
0x23: {  	v4 =	vperm.xlane v3, v0;
	_ =	sdelay $0x1  }
0x24: {  	v3 =	vperm.xlane v3, v2;
	v4 =	vadd.s32 v1, v4;
	_ =	sdelay $0x1  }
0x25: {  	v3 =	vadd.s32 v1, v3;
	_ =	sdelay $0x2  }
0x26: {  	[tilespmem:s20], [sflag:$0x1] =	stream.indirect_vreg.gather [hbm4b:s1+s3], $0x80, v4, vm0, $0xb8;
	[tilespmem:$0x17400] =	vst v63  }
0x27: {  	_ = 	snop  }
0x28: {  	[tilespmem:s10], [sflag:$0x1] =	stream.indirect_vreg.gather [hbm4b:s1+s3], $0x80, v3, vm0, $0xb8;
	[tilespmem:$0x17400] =	vst v63  }
0x29: {  	v3 =	vld [tilespmem:$0x10];
	_ =	sdelay $0x4  }
0x2a: {  	v45 =	vshll.u32 v3, $0x1  }
0x2b: {  	v3 =	vand.u32 $0x7, v3;
	v4 =	vand.u32 $0xFFFFFFF0, v45  }
0x2c: {  	v3 =	vor.u32 v3, v4  }
0x2d: {  	v4 =	vperm.xlane v3, v0;
	_ =	sdelay $0x1  }
0x2e: {  	v3 =	vperm.xlane v3, v2;
	v4 =	vadd.s32 v1, v4;
	_ =	sdelay $0x1  }
0x2f: {  	v3 =	vadd.s32 v1, v3;
	_ =	sdelay $0x2  }
0x30: {  	[tilespmem:s11], [sflag:$0x1] =	stream.indirect_vreg.gather [hbm4b:s1+s3], $0x80, v4, vm0, $0xb8;
	[tilespmem:$0x17400] =	vst v63  }
0x31: {  	_ = 	snop  }
0x32: {  	[tilespmem:s9], [sflag:$0x1] =	stream.indirect_vreg.gather [hbm4b:s1+s3], $0x80, v3, vm0, $0xb8;
	[tilespmem:$0x17400] =	vst v63  }
0x33: {  	v3 =	vld [tilespmem:$0x20];
	_ =	sdelay $0x4  }
0x34: {  	v46 =	vshll.u32 v3, $0x1  }
0x35: {  	v3 =	vand.u32 $0x7, v3;
	v4 =	vand.u32 $0xFFFFFFF0, v46  }
0x36: {  	v3 =	vor.u32 v3, v4  }
0x37: {  	v4 =	vperm.xlane v3, v0;
	_ =	sdelay $0x1  }
0x38: {  	v3 =	vperm.xlane v3, v2;
	v4 =	vadd.s32 v1, v4;
	_ =	sdelay $0x1  }
0x39: {  	v3 =	vadd.s32 v1, v3;
	_ =	sdelay $0x2  }
0x3a: {  	[tilespmem:s13], [sflag:$0x1] =	stream.indirect_vreg.gather [hbm4b:s1+s3], $0x80, v4, vm0, $0xb8;
	[tilespmem:$0x17400] =	vst v63  }
0x3b: {  	_ = 	snop  }
0x3c: {  	[tilespmem:s12], [sflag:$0x1] =	stream.indirect_vreg.gather [hbm4b:s1+s3], $0x80, v3, vm0, $0xb8;
	[tilespmem:$0x17400] =	vst v63  }
0x3d: {  	v3 =	vld [tilespmem:$0x30];
	_ =	sdelay $0x4  }
0x3e: {  	v47 =	vshll.u32 v3, $0x1  }
0x3f: {  	v3 =	vand.u32 $0x7, v3;
	v4 =	vand.u32 $0xFFFFFFF0, v47  }
0x40: {  	v3 =	vor.u32 v3, v4  }
0x41: {  	v4 =	vperm.xlane v3, v0;
	_ =	sdelay $0x1  }
0x42: {  	v3 =	vperm.xlane v3, v2;
	v4 =	vadd.s32 v1, v4;
	_ =	sdelay $0x1  }
0x43: {  	v3 =	vadd.s32 v1, v3;
	_ =	sdelay $0x2  }
0x44: {  	[tilespmem:s15], [sflag:$0x1] =	stream.indirect_vreg.gather [hbm4b:s1+s3], $0x80, v4, vm0, $0xb8;
	[tilespmem:$0x17400] =	vst v63  }
0x45: {  	_ = 	snop  }
0x46: {  	[tilespmem:s17], [sflag:$0x1] =	stream.indirect_vreg.gather [hbm4b:s1+s3], $0x80, v3, vm0, $0xb8;
	[tilespmem:$0x17400] =	vst v63  }
0x47: {  	v3 =	vld [tilespmem:$0x80];
	_ =	sdelay $0x4  }
0x48: {  	v48 =	vshll.u32 v3, $0x1  }
0x49: {  	v3 =	vand.u32 $0x7, v3;
	v4 =	vand.u32 $0xFFFFFFF0, v48  }
0x4a: {  	v3 =	vor.u32 v3, v4  }
0x4b: {  	v4 =	vperm.xlane v3, v0;
	_ =	sdelay $0x1  }
0x4c: {  	v3 =	vperm.xlane v3, v2;
	v4 =	vadd.s32 v1, v4;
	_ =	sdelay $0x1  }
0x4d: {  	v3 =	vadd.s32 v1, v3;
	_ =	sdelay $0x2  }
0x4e: {  	[tilespmem:s29], [sflag:$0x2] =	stream.indirect_vreg.gather [hbm4b:s1+s3], $0x80, v4, vm0, $0xb8;
	[tilespmem:$0x17400] =	vst v63  }
0x4f: {  	_ = 	snop  }
0x50: {  	[tilespmem:s18], [sflag:$0x2] =	stream.indirect_vreg.gather [hbm4b:s1+s3], $0x80, v3, vm0, $0xb8;
	[tilespmem:$0x17400] =	vst v63  }
0x51: {  	v3 =	vld [tilespmem:$0x90];
	_ =	sdelay $0x4  }
0x52: {  	v49 =	vshll.u32 v3, $0x1  }
0x53: {  	v3 =	vand.u32 $0x7, v3;
	v4 =	vand.u32 $0xFFFFFFF0, v49  }
0x54: {  	v3 =	vor.u32 v3, v4  }
0x55: {  	v4 =	vperm.xlane v3, v0;
	_ =	sdelay $0x1  }
0x56: {  	v3 =	vperm.xlane v3, v2;
	v4 =	vadd.s32 v1, v4;
	_ =	sdelay $0x1  }
0x57: {  	v3 =	vadd.s32 v1, v3;
	_ =	sdelay $0x2  }
0x58: {  	[tilespmem:s19], [sflag:$0x2] =	stream.indirect_vreg.gather [hbm4b:s1+s3], $0x80, v4, vm0, $0xb8;
	[tilespmem:$0x17400] =	vst v63  }
0x59: {  	_ = 	snop  }
0x5a: {  	[tilespmem:s21], [sflag:$0x2] =	stream.indirect_vreg.gather [hbm4b:s1+s3], $0x80, v3, vm0, $0xb8;
	[tilespmem:$0x17400] =	vst v63  }
0x5b: {  	v3 =	vld [tilespmem:$0xA0];
	_ =	sdelay $0x4  }
0x5c: {  	v50 =	vshll.u32 v3, $0x1  }
0x5d: {  	v3 =	vand.u32 $0x7, v3;
	v4 =	vand.u32 $0xFFFFFFF0, v50  }
0x5e: {  	v3 =	vor.u32 v3, v4  }
0x5f: {  	v4 =	vperm.xlane v3, v0;
	_ =	sdelay $0x1  }
0x60: {  	v3 =	vperm.xlane v3, v2;
	v4 =	vadd.s32 v1, v4;
	_ =	sdelay $0x1  }
0x61: {  	v3 =	vadd.s32 v1, v3;
	_ =	sdelay $0x2  }
0x62: {  	[tilespmem:s22], [sflag:$0x2] =	stream.indirect_vreg.gather [hbm4b:s1+s3], $0x80, v4, vm0, $0xb8;
	[tilespmem:$0x17400] =	vst v63  }
0x63: {  	_ = 	snop  }
0x64: {  	[tilespmem:s23], [sflag:$0x2] =	stream.indirect_vreg.gather [hbm4b:s1+s3], $0x80, v3, vm0, $0xb8;
	[tilespmem:$0x17400] =	vst v63  }
0x65: {  	v3 =	vld [tilespmem:$0xB0];
	_ =	sdelay $0x4  }
0x66: {  	v51 =	vshll.u32 v3, $0x1  }
0x67: {  	v3 =	vand.u32 $0x7, v3;
	v4 =	vand.u32 $0xFFFFFFF0, v51  }
0x68: {  	v3 =	vor.u32 v3, v4  }
0x69: {  	v4 =	vperm.xlane v3, v0;
	_ =	sdelay $0x1  }
0x6a: {  	v3 =	vperm.xlane v3, v2;
	v4 =	vadd.s32 v1, v4;
	_ =	sdelay $0x1  }
0x6b: {  	v3 =	vadd.s32 v1, v3;
	_ =	sdelay $0x1  }
0x6c: {  	s23 =	simm.s32 $0xA400  }
0x6d: {  	[tilespmem:s23], [sflag:$0x2] =	stream.indirect_vreg.gather [hbm4b:s1+s3], $0x80, v4, vm0, $0xb8;
	[tilespmem:$0x17400] =	vst v63  }
0x6e: {  	_ = 	snop  }
0x6f: {  	[tilespmem:s24], [sflag:$0x2] =	stream.indirect_vreg.gather [hbm4b:s1+s3], $0x80, v3, vm0, $0xb8;
	[tilespmem:$0x17400] =	vst v63  }
0x70: {  	v3 =	vld [tilespmem:$0x100];
	_ =	sdelay $0x4  }
0x71: {  	v52 =	vshll.u32 v3, $0x1  }
0x72: {  	v3 =	vand.u32 $0x7, v3;
	v4 =	vand.u32 $0xFFFFFFF0, v52  }
0x73: {  	v3 =	vor.u32 v3, v4  }
0x74: {  	v4 =	vperm.xlane v3, v0;
	_ =	sdelay $0x1  }
0x75: {  	v3 =	vperm.xlane v3, v2;
	v4 =	vadd.s32 v1, v4;
	_ =	sdelay $0x1  }
0x76: {  	v3 =	vadd.s32 v1, v3;
	_ =	sdelay $0x2  }
0x77: {  	[tilespmem:s7], [sflag:$0x3] =	stream.indirect_vreg.gather [hbm4b:s1+s3], $0x80, v4, vm0, $0xb8;
	[tilespmem:$0x17400] =	vst v63  }
0x78: {  	s24 =	simm.s32 $0xBC00  }
0x79: {  	[tilespmem:s24], [sflag:$0x3] =	stream.indirect_vreg.gather [hbm4b:s1+s3], $0x80, v3, vm0, $0xb8;
	[tilespmem:$0x17400] =	vst v63  }
0x7a: {  	v3 =	vld [tilespmem:$0x110];
	_ =	sdelay $0x4  }
0x7b: {  	v53 =	vshll.u32 v3, $0x1  }
0x7c: {  	v3 =	vand.u32 $0x7, v3;
	v4 =	vand.u32 $0xFFFFFFF0, v53  }
0x7d: {  	v3 =	vor.u32 v3, v4  }
0x7e: {  	v4 =	vperm.xlane v3, v0;
	_ =	sdelay $0x1  }
0x7f: {  	v3 =	vperm.xlane v3, v2;
	v4 =	vadd.s32 v1, v4;
	_ =	sdelay $0x1  }
0x80: {  	v3 =	vadd.s32 v1, v3;
	_ =	sdelay $0x1  }
0x81: {  	s29 =	simm.s32 $0xC400  }
0x82: {  	[tilespmem:s29], [sflag:$0x3] =	stream.indirect_vreg.gather [hbm4b:s1+s3], $0x80, v4, vm0, $0xb8;
	[tilespmem:$0x17400] =	vst v63  }
0x83: {  	s8 =	simm.s32 $0xCC00  }
0x84: {  	[tilespmem:s8], [sflag:$0x3] =	stream.indirect_vreg.gather [hbm4b:s1+s3], $0x80, v3, vm0, $0xb8;
	[tilespmem:$0x17400] =	vst v63  }
0x85: {  	v3 =	vld [tilespmem:$0x120];
	_ =	sdelay $0x4  }
0x86: {  	v54 =	vshll.u32 v3, $0x1  }
0x87: {  	v3 =	vand.u32 $0x7, v3;
	v4 =	vand.u32 $0xFFFFFFF0, v54  }
0x88: {  	v3 =	vor.u32 v3, v4  }
0x89: {  	v4 =	vperm.xlane v3, v0;
	_ =	sdelay $0x1  }
0x8a: {  	v3 =	vperm.xlane v3, v2;
	v4 =	vadd.s32 v1, v4;
	_ =	sdelay $0x1  }
0x8b: {  	v3 =	vadd.s32 v1, v3;
	_ =	sdelay $0x1  }
0x8c: {  	s9 =	simm.s32 $0xD400  }
0x8d: {  	[tilespmem:s9], [sflag:$0x3] =	stream.indirect_vreg.gather [hbm4b:s1+s3], $0x80, v4, vm0, $0xb8;
	[tilespmem:$0x17400] =	vst v63  }
0x8e: {  	s10 =	simm.s32 $0xDC00  }
0x8f: {  	[tilespmem:s10], [sflag:$0x3] =	stream.indirect_vreg.gather [hbm4b:s1+s3], $0x80, v3, vm0, $0xb8;
	[tilespmem:$0x17400] =	vst v63  }
0x90: {  	v3 =	vld [tilespmem:$0x130];
	_ =	sdelay $0x4  }
0x91: {  	v55 =	vshll.u32 v3, $0x1  }
0x92: {  	v3 =	vand.u32 $0x7, v3;
	v4 =	vand.u32 $0xFFFFFFF0, v55  }
0x93: {  	v3 =	vor.u32 v3, v4  }
0x94: {  	v4 =	vperm.xlane v3, v0;
	_ =	sdelay $0x1  }
0x95: {  	v3 =	vperm.xlane v3, v2;
	v4 =	vadd.s32 v1, v4;
	_ =	sdelay $0x1  }
0x96: {  	v3 =	vadd.s32 v1, v3;
	_ =	sdelay $0x1  }
0x97: {  	s11 =	simm.s32 $0xE400  }
0x98: {  	[tilespmem:s11], [sflag:$0x3] =	stream.indirect_vreg.gather [hbm4b:s1+s3], $0x80, v4, vm0, $0xb8;
	[tilespmem:$0x17400] =	vst v63  }
0x99: {  	s12 =	simm.s32 $0xEC00  }
0x9a: {  	[tilespmem:s12], [sflag:$0x3] =	stream.indirect_vreg.gather [hbm4b:s1+s3], $0x80, v3, vm0, $0xb8;
	[tilespmem:$0x17400] =	vst v63  }
0x9b: {  	v3 =	vld [tilespmem:$0x180];
	_ =	sdelay $0x4  }
0x9c: {  	v56 =	vshll.u32 v3, $0x1  }
0x9d: {  	v3 =	vand.u32 $0x7, v3;
	v4 =	vand.u32 $0xFFFFFFF0, v56  }
0x9e: {  	v3 =	vor.u32 v3, v4  }
0x9f: {  	v4 =	vperm.xlane v3, v0;
	_ =	sdelay $0x1  }
0xa0: {  	v3 =	vperm.xlane v3, v2;
	v4 =	vadd.s32 v1, v4;
	_ =	sdelay $0x1  }
0xa1: {  	v3 =	vadd.s32 v1, v3;
	_ =	sdelay $0x2  }
0xa2: {  	[tilespmem:s14], [sflag:$0x4] =	stream.indirect_vreg.gather [hbm4b:s1+s3], $0x80, v4, vm0, $0xb8;
	[tilespmem:$0x17400] =	vst v63  }
0xa3: {  	s13 =	simm.s32 $0xFC00  }
0xa4: {  	[tilespmem:s13], [sflag:$0x4] =	stream.indirect_vreg.gather [hbm4b:s1+s3], $0x80, v3, vm0, $0xb8;
	[tilespmem:$0x17400] =	vst v63  }
0xa5: {  	v3 =	vld [tilespmem:$0x190];
	_ =	sdelay $0x4  }
0xa6: {  	v57 =	vshll.u32 v3, $0x1  }
0xa7: {  	v3 =	vand.u32 $0x7, v3;
	v4 =	vand.u32 $0xFFFFFFF0, v57  }
0xa8: {  	v3 =	vor.u32 v3, v4  }
0xa9: {  	v4 =	vperm.xlane v3, v0;
	_ =	sdelay $0x1  }
0xaa: {  	v3 =	vperm.xlane v3, v2;
	v4 =	vadd.s32 v1, v4;
	_ =	sdelay $0x1  }
0xab: {  	v3 =	vadd.s32 v1, v3;
	_ =	sdelay $0x1  }
0xac: {  	s14 =	simm.s32 $0x10400  }
0xad: {  	[tilespmem:s14], [sflag:$0x4] =	stream.indirect_vreg.gather [hbm4b:s1+s3], $0x80, v4, vm0, $0xb8;
	[tilespmem:$0x17400] =	vst v63  }
0xae: {  	s15 =	simm.s32 $0x10C00  }
0xaf: {  	[tilespmem:s15], [sflag:$0x4] =	stream.indirect_vreg.gather [hbm4b:s1+s3], $0x80, v3, vm0, $0xb8;
	[tilespmem:$0x17400] =	vst v63  }
0xb0: {  	v3 =	vld [tilespmem:$0x1A0];
	_ =	sdelay $0x4  }
0xb1: {  	v58 =	vshll.u32 v3, $0x1  }
0xb2: {  	v3 =	vand.u32 $0x7, v3;
	v4 =	vand.u32 $0xFFFFFFF0, v58  }
0xb3: {  	v3 =	vor.u32 v3, v4  }
0xb4: {  	v4 =	vperm.xlane v3, v0;
	_ =	sdelay $0x1  }
0xb5: {  	v3 =	vperm.xlane v3, v2;
	v4 =	vadd.s32 v1, v4;
	_ =	sdelay $0x1  }
0xb6: {  	v3 =	vadd.s32 v1, v3;
	_ =	sdelay $0x1  }
0xb7: {  	s17 =	simm.s32 $0x11400  }
0xb8: {  	[tilespmem:s17], [sflag:$0x4] =	stream.indirect_vreg.gather [hbm4b:s1+s3], $0x80, v4, vm0, $0xb8;
	[tilespmem:$0x17400] =	vst v63  }
0xb9: {  	s18 =	simm.s32 $0x11C00  }
0xba: {  	[tilespmem:s18], [sflag:$0x4] =	stream.indirect_vreg.gather [hbm4b:s1+s3], $0x80, v3, vm0, $0xb8;
	[tilespmem:$0x17400] =	vst v63  }
0xbb: {  	v3 =	vld [tilespmem:$0x1B0];
	_ =	sdelay $0x4  }
0xbc: {  	v59 =	vshll.u32 v3, $0x1  }
0xbd: {  	v3 =	vand.u32 $0x7, v3;
	v4 =	vand.u32 $0xFFFFFFF0, v59  }
0xbe: {  	v3 =	vor.u32 v3, v4  }
0xbf: {  	v4 =	vperm.xlane v3, v0;
	_ =	sdelay $0x1  }
0xc0: {  	v3 =	vperm.xlane v3, v2;
	v4 =	vadd.s32 v1, v4;
	_ =	sdelay $0x1  }
0xc1: {  	v3 =	vadd.s32 v1, v3;
	_ =	sdelay $0x1  }
0xc2: {  	s19 =	simm.s32 $0x12400  }
0xc3: {  	[tilespmem:s19], [sflag:$0x4] =	stream.indirect_vreg.gather [hbm4b:s1+s3], $0x80, v4, vm0, $0xb8;
	[tilespmem:$0x17400] =	vst v63  }
0xc4: {  	s20 =	simm.s32 $0x12C00  }
0xc5: {  	[tilespmem:s20], [sflag:$0x4] =	stream.indirect_vreg.gather [hbm4b:s1+s3], $0x80, v3, vm0, $0xb8;
	[tilespmem:$0x17400] =	vst v63  }
0xc6: {  	v3 =	vld [tilespmem:$0x200];
	_ =	sdelay $0x4  }
0xc7: {  	v60 =	vshll.u32 v3, $0x1  }
0xc8: {  	v3 =	vand.u32 $0x7, v3;
	v4 =	vand.u32 $0xFFFFFFF0, v60  }
0xc9: {  	v3 =	vor.u32 v3, v4  }
0xca: {  	v4 =	vperm.xlane v3, v0;
	_ =	sdelay $0x1  }
0xcb: {  	v3 =	vperm.xlane v3, v2;
	v4 =	vadd.s32 v1, v4;
	_ =	sdelay $0x1  }
0xcc: {  	v3 =	vadd.s32 v1, v3;
	_ =	sdelay $0x2  }
0xcd: {  	[tilespmem:s16], [sflag:$0x5] =	stream.indirect_vreg.gather [hbm4b:s1+s3], $0x80, v4, vm0, $0xb8;
	[tilespmem:$0x17400] =	vst v63  }
0xce: {  	s21 =	simm.s32 $0x13C00  }
0xcf: {  	[tilespmem:s21], [sflag:$0x5] =	stream.indirect_vreg.gather [hbm4b:s1+s3], $0x80, v3, vm0, $0xb8;
	[tilespmem:$0x17400] =	vst v63  }
0xd0: {  	v3 =	vld [tilespmem:$0x210];
	_ =	sdelay $0x4  }
0xd1: {  	v61 =	vshll.u32 v3, $0x1  }
0xd2: {  	v3 =	vand.u32 $0x7, v3;
	v4 =	vand.u32 $0xFFFFFFF0, v61  }
0xd3: {  	v3 =	vor.u32 v3, v4  }
0xd4: {  	v4 =	vperm.xlane v3, v0;
	_ =	sdelay $0x1  }
0xd5: {  	v3 =	vperm.xlane v3, v2;
	v4 =	vadd.s32 v1, v4;
	_ =	sdelay $0x1  }
0xd6: {  	v3 =	vadd.s32 v1, v3;
	_ =	sdelay $0x1  }
0xd7: {  	s22 =	simm.s32 $0x14400  }
0xd8: {  	[tilespmem:s22], [sflag:$0x5] =	stream.indirect_vreg.gather [hbm4b:s1+s3], $0x80, v4, vm0, $0xb8;
	[tilespmem:$0x17400] =	vst v63  }
0xd9: {  	s23 =	simm.s32 $0x14C00  }
0xda: {  	[tilespmem:s23], [sflag:$0x5] =	stream.indirect_vreg.gather [hbm4b:s1+s3], $0x80, v3, vm0, $0xb8;
	[tilespmem:$0x17400] =	vst v63  }
0xdb: {  	v3 =	vld [tilespmem:$0x220];
	_ =	sdelay $0x4  }
0xdc: {  	v62 =	vshll.u32 v3, $0x1  }
0xdd: {  	v3 =	vand.u32 $0x7, v3;
	v4 =	vand.u32 $0xFFFFFFF0, v62  }
0xde: {  	v3 =	vor.u32 v3, v4  }
0xdf: {  	v4 =	vperm.xlane v3, v0;
	_ =	sdelay $0x1  }
0xe0: {  	v3 =	vperm.xlane v3, v2;
	v4 =	vadd.s32 v1, v4;
	_ =	sdelay $0x1  }
0xe1: {  	v3 =	vadd.s32 v1, v3;
	_ =	sdelay $0x1  }
0xe2: {  	s24 =	simm.s32 $0x15400  }
0xe3: {  	[tilespmem:s24], [sflag:$0x5] =	stream.indirect_vreg.gather [hbm4b:s1+s3], $0x80, v4, vm0, $0xb8;
	[tilespmem:$0x17400] =	vst v63  }
0xe4: {  	s29 =	simm.s32 $0x15C00  }
0xe5: {  	[tilespmem:s29], [sflag:$0x5] =	stream.indirect_vreg.gather [hbm4b:s1+s3], $0x80, v3, vm0, $0xb8;
	[tilespmem:$0x17400] =	vst v63  }
0xe6: {  	v3 =	vld [tilespmem:$0x230];
	_ =	sdelay $0x4  }
0xe7: {  	v63 =	vshll.u32 v3, $0x1  }
0xe8: {  	v3 =	vand.u32 $0x7, v3;
	v4 =	vand.u32 $0xFFFFFFF0, v63  }
0xe9: {  	v3 =	vor.u32 v3, v4  }
0xea: {  	v4 =	vperm.xlane v3, v0;
	_ =	sdelay $0x1  }
0xeb: {  	v3 =	vperm.xlane v3, v2;
	v4 =	vadd.s32 v1, v4;
	_ =	sdelay $0x1  }
0xec: {  	s8 =	simm.s32 $0x4B0;
	s9 =	simm.s32 $0x0;
	v3 =	vadd.s32 v1, v3  }
0xed: {  	s12 =	simm.s32 $0xA400;
	s13 =	simm.s32 $0x4C00;
	s15 =	simm.s32 $0x5C00  }
0xee: {  	s17 =	simm.s32 $0xAC00;
	s18 =	simm.s32 $0x6C00;
	s22 =	simm.s32 $0x16400  }
0xef: {  	[tilespmem:s22], [sflag:$0x5] =	stream.indirect_vreg.gather [hbm4b:s1+s3], $0x80, v4, vm0, $0xb8;
	[tilespmem:$0x17400] =	vst v63  }
0xf0: {  	s21 =	simm.s32 $0x8400;
	s23 =	simm.s32 $0x9400;
	s24 =	simm.s32 $0x16C00  }
0xf1: {  	[tilespmem:s24], [sflag:$0x5] =	stream.indirect_vreg.gather [hbm4b:s1+s3], $0x80, v3, vm0, $0xb8;
	[tilespmem:$0x17400] =	vst v63  }
.LBB2_2:
0xf2: {  	_ =	swait.ge [sflag:s25], $0x4000  }
0xf3: {  	s10 =	rddreg [dreg:$0x4];
	[sflag:s25] =	ssyncset.done $0x0  }
0xf4: {  	s29 =	simm.s32 $0x3400;
	[sflag:s25] =	ssyncadd.s32 $0xFFFFC000;
	s10 =	sadd.s32 s9, s10  }
0xf5: {  	[hbm4b:s10+s3] =	stream.linear.scatter [tilespmem:s29], [sflag:$0x6], $0x4000, $0x38;
	[tilespmem:$0x17400] =	vst v63  }
0xf6: {  	_ =	swait.ge [sflag:s26], $0x4000  }
0xf7: {  	[sflag:s26] =	ssyncset.done $0x0  }
0xf8: {  	s7 =	simm.s32 $0x7400;
	s11 =	sadd.s32 $0x800, s10;
	[sflag:s26] =	ssyncadd.s32 $0xFFFFC000  }
0xf9: {  	[hbm4b:s11+s3] =	stream.linear.scatter [tilespmem:s7], [sflag:$0x7], $0x4000, $0x38;
	[tilespmem:$0x17400] =	vst v63  }
0xfa: {  	_ =	swait.ge [sflag:s28], $0x4000  }
0xfb: {  	[sflag:s28] =	ssyncset.done $0x0  }
0xfc: {  	s14 =	simm.s32 $0xB400;
	s19 =	sadd.s32 $0x1000, s10;
	[sflag:s28] =	ssyncadd.s32 $0xFFFFC000  }
0xfd: {  	[hbm4b:s19+s3] =	stream.linear.scatter [tilespmem:s14], [sflag:$0x8], $0x4000, $0x38;
	[tilespmem:$0x17400] =	vst v63  }
0xfe: {  	_ =	swait.ge [sflag:s30], $0x4000  }
0xff: {  	[sflag:s30] =	ssyncset.done $0x0  }
0x100: {  	s20 =	sadd.s32 $0x1800, s10;
	s19 =	simm.s32 $0xF400;
	[sflag:s30] =	ssyncadd.s32 $0xFFFFC000  }
0x101: {  	[hbm4b:s20+s3] =	stream.linear.scatter [tilespmem:s19], [sflag:$0x9], $0x4000, $0x38;
	[tilespmem:$0x17400] =	vst v63  }
0x102: {  	_ =	swait.ge [sflag:s31], $0x4000  }
0x103: {  	[sflag:s31] =	ssyncset.done $0x0  }
0x104: {  	s10 =	sadd.s32 $0x2000, s10;
	[sflag:s31] =	ssyncadd.s32 $0xFFFFC000  }
0x105: {  	[hbm4b:s10+s3] =	stream.linear.scatter [tilespmem:s16], [sflag:$0xA], $0x4000, $0x38;
	[tilespmem:$0x17400] =	vst v63  }
0x106: {  	_ =	swait.ge [sflag:s2], $0x4000  }
0x107: {  	[sflag:s2] =	ssyncset.done $0x0  }
0x108: {  	[sflag:s2] =	ssyncadd.s32 $0xFFFFC000  }
0x109: {  	v3 =	vld [tilespmem:s8+$0xFFFFFDD0];
	_ =	sdelay $0x4  }
0x10a: {  	v4 =	vshll.u32 v3, $0x1  }
0x10b: {  	v3 =	vand.u32 $0x7, v3;
	v4 =	vand.u32 $0xFFFFFFF0, v4  }
0x10c: {  	v3 =	vor.u32 v3, v4  }
0x10d: {  	v4 =	vperm.xlane v3, v0;
	_ =	sdelay $0x1  }
0x10e: {  	v3 =	vperm.xlane v3, v2;
	v4 =	vadd.s32 v1, v4;
	_ =	sdelay $0x1  }
0x10f: {  	v3 =	vadd.s32 v1, v3;
	_ =	sdelay $0x2  }
0x110: {  	[tilespmem:s29], [sflag:$0x1] =	stream.indirect_vreg.gather [hbm4b:s1+s3], $0x80, v4, vm0, $0xb8;
	[tilespmem:$0x17400] =	vst v63  }
0x111: {  	s10 =	simm.s32 $0x3C00  }
0x112: {  	[tilespmem:s10], [sflag:$0x1] =	stream.indirect_vreg.gather [hbm4b:s1+s3], $0x80, v3, vm0, $0xb8;
	[tilespmem:$0x17400] =	vst v63  }
0x113: {  	v3 =	vld [tilespmem:s8+$0xFFFFFDE0];
	_ =	sdelay $0x4  }
0x114: {  	v45 =	vshll.u32 v3, $0x1  }
0x115: {  	v3 =	vand.u32 $0x7, v3;
	v4 =	vand.u32 $0xFFFFFFF0, v45  }
0x116: {  	v3 =	vor.u32 v3, v4  }
0x117: {  	v4 =	vperm.xlane v3, v0;
	_ =	sdelay $0x1  }
0x118: {  	v3 =	vperm.xlane v3, v2;
	v4 =	vadd.s32 v1, v4;
	_ =	sdelay $0x1  }
0x119: {  	v3 =	vadd.s32 v1, v3;
	_ =	sdelay $0x1  }
0x11a: {  	s11 =	simm.s32 $0x4400  }
0x11b: {  	[tilespmem:s11], [sflag:$0x1] =	stream.indirect_vreg.gather [hbm4b:s1+s3], $0x80, v4, vm0, $0xb8;
	[tilespmem:$0x17400] =	vst v63  }
0x11c: {  	_ = 	snop  }
0x11d: {  	[tilespmem:s13], [sflag:$0x1] =	stream.indirect_vreg.gather [hbm4b:s1+s3], $0x80, v3, vm0, $0xb8;
	[tilespmem:$0x17400] =	vst v63  }
0x11e: {  	v3 =	vld [tilespmem:s8+$0xFFFFFDF0];
	_ =	sdelay $0x4  }
0x11f: {  	v46 =	vshll.u32 v3, $0x1  }
0x120: {  	v3 =	vand.u32 $0x7, v3;
	v4 =	vand.u32 $0xFFFFFFF0, v46  }
0x121: {  	v3 =	vor.u32 v3, v4  }
0x122: {  	v4 =	vperm.xlane v3, v0;
	_ =	sdelay $0x1  }
0x123: {  	v3 =	vperm.xlane v3, v2;
	v4 =	vadd.s32 v1, v4;
	_ =	sdelay $0x1  }
0x124: {  	v3 =	vadd.s32 v1, v3;
	_ =	sdelay $0x1  }
0x125: {  	s29 =	simm.s32 $0x5400  }
0x126: {  	[tilespmem:s29], [sflag:$0x1] =	stream.indirect_vreg.gather [hbm4b:s1+s3], $0x80, v4, vm0, $0xb8;
	[tilespmem:$0x17400] =	vst v63  }
0x127: {  	_ = 	snop  }
0x128: {  	[tilespmem:s15], [sflag:$0x1] =	stream.indirect_vreg.gather [hbm4b:s1+s3], $0x80, v3, vm0, $0xb8;
	[tilespmem:$0x17400] =	vst v63  }
0x129: {  	v3 =	vld [tilespmem:s8+$0xFFFFFE00];
	_ =	sdelay $0x4  }
0x12a: {  	v47 =	vshll.u32 v3, $0x1  }
0x12b: {  	v3 =	vand.u32 $0x7, v3;
	v4 =	vand.u32 $0xFFFFFFF0, v47  }
0x12c: {  	v3 =	vor.u32 v3, v4  }
0x12d: {  	v4 =	vperm.xlane v3, v0;
	_ =	sdelay $0x1  }
0x12e: {  	v3 =	vperm.xlane v3, v2;
	v4 =	vadd.s32 v1, v4;
	_ =	sdelay $0x1  }
0x12f: {  	v3 =	vadd.s32 v1, v3;
	_ =	sdelay $0x1  }
0x130: {  	s29 =	simm.s32 $0x6400  }
0x131: {  	[tilespmem:s29], [sflag:$0x1] =	stream.indirect_vreg.gather [hbm4b:s1+s3], $0x80, v4, vm0, $0xb8;
	[tilespmem:$0x17400] =	vst v63  }
0x132: {  	_ = 	snop  }
0x133: {  	[tilespmem:s18], [sflag:$0x1] =	stream.indirect_vreg.gather [hbm4b:s1+s3], $0x80, v3, vm0, $0xb8;
	[tilespmem:$0x17400] =	vst v63  }
0x134: {  	_ =	swait.ge [sflag:s0], $0x4000  }
0x135: {  	[sflag:s0] =	ssyncset.done $0x0  }
0x136: {  	[sflag:s0] =	ssyncadd.s32 $0xFFFFC000  }
0x137: {  	v3 =	vld [tilespmem:s8+$0xFFFFFE50];
	_ =	sdelay $0x4  }
0x138: {  	v48 =	vshll.u32 v3, $0x1  }
0x139: {  	v3 =	vand.u32 $0x7, v3;
	v4 =	vand.u32 $0xFFFFFFF0, v48  }
0x13a: {  	v3 =	vor.u32 v3, v4  }
0x13b: {  	v4 =	vperm.xlane v3, v0;
	_ =	sdelay $0x1  }
0x13c: {  	v3 =	vperm.xlane v3, v2;
	v4 =	vadd.s32 v1, v4;
	_ =	sdelay $0x1  }
0x13d: {  	v3 =	vadd.s32 v1, v3;
	_ =	sdelay $0x2  }
0x13e: {  	[tilespmem:s7], [sflag:$0x2] =	stream.indirect_vreg.gather [hbm4b:s1+s3], $0x80, v4, vm0, $0xb8;
	[tilespmem:$0x17400] =	vst v63  }
0x13f: {  	s7 =	simm.s32 $0x7C00  }
0x140: {  	[tilespmem:s7], [sflag:$0x2] =	stream.indirect_vreg.gather [hbm4b:s1+s3], $0x80, v3, vm0, $0xb8;
	[tilespmem:$0x17400] =	vst v63  }
0x141: {  	v3 =	vld [tilespmem:s8+$0xFFFFFE60];
	_ =	sdelay $0x4  }
0x142: {  	v49 =	vshll.u32 v3, $0x1  }
0x143: {  	v3 =	vand.u32 $0x7, v3;
	v4 =	vand.u32 $0xFFFFFFF0, v49  }
0x144: {  	v3 =	vor.u32 v3, v4  }
0x145: {  	v4 =	vperm.xlane v3, v0;
	_ =	sdelay $0x1  }
0x146: {  	v3 =	vperm.xlane v3, v2;
	v4 =	vadd.s32 v1, v4;
	_ =	sdelay $0x1  }
0x147: {  	v3 =	vadd.s32 v1, v3;
	_ =	sdelay $0x2  }
0x148: {  	[tilespmem:s21], [sflag:$0x2] =	stream.indirect_vreg.gather [hbm4b:s1+s3], $0x80, v4, vm0, $0xb8;
	[tilespmem:$0x17400] =	vst v63  }
0x149: {  	s7 =	simm.s32 $0x8C00  }
0x14a: {  	[tilespmem:s7], [sflag:$0x2] =	stream.indirect_vreg.gather [hbm4b:s1+s3], $0x80, v3, vm0, $0xb8;
	[tilespmem:$0x17400] =	vst v63  }
0x14b: {  	v3 =	vld [tilespmem:s8+$0xFFFFFE70];
	_ =	sdelay $0x4  }
0x14c: {  	v50 =	vshll.u32 v3, $0x1  }
0x14d: {  	v3 =	vand.u32 $0x7, v3;
	v4 =	vand.u32 $0xFFFFFFF0, v50  }
0x14e: {  	v3 =	vor.u32 v3, v4  }
0x14f: {  	v4 =	vperm.xlane v3, v0;
	_ =	sdelay $0x1  }
0x150: {  	v3 =	vperm.xlane v3, v2;
	v4 =	vadd.s32 v1, v4;
	_ =	sdelay $0x1  }
0x151: {  	v3 =	vadd.s32 v1, v3;
	_ =	sdelay $0x2  }
0x152: {  	[tilespmem:s23], [sflag:$0x2] =	stream.indirect_vreg.gather [hbm4b:s1+s3], $0x80, v4, vm0, $0xb8;
	[tilespmem:$0x17400] =	vst v63  }
0x153: {  	s7 =	simm.s32 $0x9C00  }
0x154: {  	[tilespmem:s7], [sflag:$0x2] =	stream.indirect_vreg.gather [hbm4b:s1+s3], $0x80, v3, vm0, $0xb8;
	[tilespmem:$0x17400] =	vst v63  }
0x155: {  	v3 =	vld [tilespmem:s8+$0xFFFFFE80];
	_ =	sdelay $0x4  }
0x156: {  	v51 =	vshll.u32 v3, $0x1  }
0x157: {  	v3 =	vand.u32 $0x7, v3;
	v4 =	vand.u32 $0xFFFFFFF0, v51  }
0x158: {  	v3 =	vor.u32 v3, v4  }
0x159: {  	v4 =	vperm.xlane v3, v0;
	_ =	sdelay $0x1  }
0x15a: {  	v3 =	vperm.xlane v3, v2;
	v4 =	vadd.s32 v1, v4;
	_ =	sdelay $0x1  }
0x15b: {  	v3 =	vadd.s32 v1, v3;
	_ =	sdelay $0x2  }
0x15c: {  	[tilespmem:s12], [sflag:$0x2] =	stream.indirect_vreg.gather [hbm4b:s1+s3], $0x80, v4, vm0, $0xb8;
	[tilespmem:$0x17400] =	vst v63  }
0x15d: {  	_ = 	snop  }
0x15e: {  	[tilespmem:s17], [sflag:$0x2] =	stream.indirect_vreg.gather [hbm4b:s1+s3], $0x80, v3, vm0, $0xb8;
	[tilespmem:$0x17400] =	vst v63  }
0x15f: {  	_ =	swait.ge [sflag:s4], $0x4000  }
0x160: {  	[sflag:s4] =	ssyncset.done $0x0  }
0x161: {  	[sflag:s4] =	ssyncadd.s32 $0xFFFFC000  }
0x162: {  	v3 =	vld [tilespmem:s8+$0xFFFFFED0];
	_ =	sdelay $0x4  }
0x163: {  	v52 =	vshll.u32 v3, $0x1  }
0x164: {  	v3 =	vand.u32 $0x7, v3;
	v4 =	vand.u32 $0xFFFFFFF0, v52  }
0x165: {  	v3 =	vor.u32 v3, v4  }
0x166: {  	v4 =	vperm.xlane v3, v0;
	_ =	sdelay $0x1  }
0x167: {  	v3 =	vperm.xlane v3, v2;
	v4 =	vadd.s32 v1, v4;
	_ =	sdelay $0x1  }
0x168: {  	v3 =	vadd.s32 v1, v3;
	_ =	sdelay $0x2  }
0x169: {  	[tilespmem:s14], [sflag:$0x3] =	stream.indirect_vreg.gather [hbm4b:s1+s3], $0x80, v4, vm0, $0xb8;
	[tilespmem:$0x17400] =	vst v63  }
0x16a: {  	s14 =	simm.s32 $0xBC00  }
0x16b: {  	[tilespmem:s14], [sflag:$0x3] =	stream.indirect_vreg.gather [hbm4b:s1+s3], $0x80, v3, vm0, $0xb8;
	[tilespmem:$0x17400] =	vst v63  }
0x16c: {  	v3 =	vld [tilespmem:s8+$0xFFFFFEE0];
	_ =	sdelay $0x4  }
0x16d: {  	v53 =	vshll.u32 v3, $0x1  }
0x16e: {  	v3 =	vand.u32 $0x7, v3;
	v4 =	vand.u32 $0xFFFFFFF0, v53  }
0x16f: {  	v3 =	vor.u32 v3, v4  }
0x170: {  	v4 =	vperm.xlane v3, v0;
	_ =	sdelay $0x1  }
0x171: {  	v3 =	vperm.xlane v3, v2;
	v4 =	vadd.s32 v1, v4;
	_ =	sdelay $0x1  }
0x172: {  	v3 =	vadd.s32 v1, v3;
	_ =	sdelay $0x1  }
0x173: {  	s14 =	simm.s32 $0xC400  }
0x174: {  	[tilespmem:s14], [sflag:$0x3] =	stream.indirect_vreg.gather [hbm4b:s1+s3], $0x80, v4, vm0, $0xb8;
	[tilespmem:$0x17400] =	vst v63  }
0x175: {  	s14 =	simm.s32 $0xCC00  }
0x176: {  	[tilespmem:s14], [sflag:$0x3] =	stream.indirect_vreg.gather [hbm4b:s1+s3], $0x80, v3, vm0, $0xb8;
	[tilespmem:$0x17400] =	vst v63  }
0x177: {  	v3 =	vld [tilespmem:s8+$0xFFFFFEF0];
	_ =	sdelay $0x4  }
0x178: {  	v54 =	vshll.u32 v3, $0x1  }
0x179: {  	v3 =	vand.u32 $0x7, v3;
	v4 =	vand.u32 $0xFFFFFFF0, v54  }
0x17a: {  	v3 =	vor.u32 v3, v4  }
0x17b: {  	v4 =	vperm.xlane v3, v0;
	_ =	sdelay $0x1  }
0x17c: {  	v3 =	vperm.xlane v3, v2;
	v4 =	vadd.s32 v1, v4;
	_ =	sdelay $0x1  }
0x17d: {  	v3 =	vadd.s32 v1, v3;
	_ =	sdelay $0x1  }
0x17e: {  	s14 =	simm.s32 $0xD400  }
0x17f: {  	[tilespmem:s14], [sflag:$0x3] =	stream.indirect_vreg.gather [hbm4b:s1+s3], $0x80, v4, vm0, $0xb8;
	[tilespmem:$0x17400] =	vst v63  }
0x180: {  	s14 =	simm.s32 $0xDC00  }
0x181: {  	[tilespmem:s14], [sflag:$0x3] =	stream.indirect_vreg.gather [hbm4b:s1+s3], $0x80, v3, vm0, $0xb8;
	[tilespmem:$0x17400] =	vst v63  }
0x182: {  	v3 =	vld [tilespmem:s8+$0xFFFFFF00];
	_ =	sdelay $0x4  }
0x183: {  	v55 =	vshll.u32 v3, $0x1  }
0x184: {  	v3 =	vand.u32 $0x7, v3;
	v4 =	vand.u32 $0xFFFFFFF0, v55  }
0x185: {  	v3 =	vor.u32 v3, v4  }
0x186: {  	v4 =	vperm.xlane v3, v0;
	_ =	sdelay $0x1  }
0x187: {  	v3 =	vperm.xlane v3, v2;
	v4 =	vadd.s32 v1, v4;
	_ =	sdelay $0x1  }
0x188: {  	v3 =	vadd.s32 v1, v3;
	_ =	sdelay $0x1  }
0x189: {  	s14 =	simm.s32 $0xE400  }
0x18a: {  	[tilespmem:s14], [sflag:$0x3] =	stream.indirect_vreg.gather [hbm4b:s1+s3], $0x80, v4, vm0, $0xb8;
	[tilespmem:$0x17400] =	vst v63  }
0x18b: {  	s14 =	simm.s32 $0xEC00  }
0x18c: {  	[tilespmem:s14], [sflag:$0x3] =	stream.indirect_vreg.gather [hbm4b:s1+s3], $0x80, v3, vm0, $0xb8;
	[tilespmem:$0x17400] =	vst v63  }
0x18d: {  	_ =	swait.ge [sflag:s5], $0x4000  }
0x18e: {  	[sflag:s5] =	ssyncset.done $0x0  }
0x18f: {  	[sflag:s5] =	ssyncadd.s32 $0xFFFFC000  }
0x190: {  	v3 =	vld [tilespmem:s8+$0xFFFFFF50];
	_ =	sdelay $0x4  }
0x191: {  	v56 =	vshll.u32 v3, $0x1  }
0x192: {  	v3 =	vand.u32 $0x7, v3;
	v4 =	vand.u32 $0xFFFFFFF0, v56  }
0x193: {  	v3 =	vor.u32 v3, v4  }
0x194: {  	v4 =	vperm.xlane v3, v0;
	_ =	sdelay $0x1  }
0x195: {  	v3 =	vperm.xlane v3, v2;
	v4 =	vadd.s32 v1, v4;
	_ =	sdelay $0x1  }
0x196: {  	v3 =	vadd.s32 v1, v3;
	_ =	sdelay $0x2  }
0x197: {  	[tilespmem:s19], [sflag:$0x4] =	stream.indirect_vreg.gather [hbm4b:s1+s3], $0x80, v4, vm0, $0xb8;
	[tilespmem:$0x17400] =	vst v63  }
0x198: {  	s19 =	simm.s32 $0xFC00  }
0x199: {  	[tilespmem:s19], [sflag:$0x4] =	stream.indirect_vreg.gather [hbm4b:s1+s3], $0x80, v3, vm0, $0xb8;
	[tilespmem:$0x17400] =	vst v63  }
0x19a: {  	v3 =	vld [tilespmem:s8+$0xFFFFFF60];
	_ =	sdelay $0x4  }
0x19b: {  	v57 =	vshll.u32 v3, $0x1  }
0x19c: {  	v3 =	vand.u32 $0x7, v3;
	v4 =	vand.u32 $0xFFFFFFF0, v57  }
0x19d: {  	v3 =	vor.u32 v3, v4  }
0x19e: {  	v4 =	vperm.xlane v3, v0;
	_ =	sdelay $0x1  }
0x19f: {  	v3 =	vperm.xlane v3, v2;
	v4 =	vadd.s32 v1, v4;
	_ =	sdelay $0x1  }
0x1a0: {  	v3 =	vadd.s32 v1, v3;
	_ =	sdelay $0x1  }
0x1a1: {  	s19 =	simm.s32 $0x10400  }
0x1a2: {  	[tilespmem:s19], [sflag:$0x4] =	stream.indirect_vreg.gather [hbm4b:s1+s3], $0x80, v4, vm0, $0xb8;
	[tilespmem:$0x17400] =	vst v63  }
0x1a3: {  	s19 =	simm.s32 $0x10C00  }
0x1a4: {  	[tilespmem:s19], [sflag:$0x4] =	stream.indirect_vreg.gather [hbm4b:s1+s3], $0x80, v3, vm0, $0xb8;
	[tilespmem:$0x17400] =	vst v63  }
0x1a5: {  	v3 =	vld [tilespmem:s8+$0xFFFFFF70];
	_ =	sdelay $0x4  }
0x1a6: {  	v58 =	vshll.u32 v3, $0x1  }
0x1a7: {  	v3 =	vand.u32 $0x7, v3;
	v4 =	vand.u32 $0xFFFFFFF0, v58  }
0x1a8: {  	v3 =	vor.u32 v3, v4  }
0x1a9: {  	v4 =	vperm.xlane v3, v0;
	_ =	sdelay $0x1  }
0x1aa: {  	v3 =	vperm.xlane v3, v2;
	v4 =	vadd.s32 v1, v4;
	_ =	sdelay $0x1  }
0x1ab: {  	v3 =	vadd.s32 v1, v3;
	_ =	sdelay $0x1  }
0x1ac: {  	s19 =	simm.s32 $0x11400  }
0x1ad: {  	[tilespmem:s19], [sflag:$0x4] =	stream.indirect_vreg.gather [hbm4b:s1+s3], $0x80, v4, vm0, $0xb8;
	[tilespmem:$0x17400] =	vst v63  }
0x1ae: {  	s19 =	simm.s32 $0x11C00  }
0x1af: {  	[tilespmem:s19], [sflag:$0x4] =	stream.indirect_vreg.gather [hbm4b:s1+s3], $0x80, v3, vm0, $0xb8;
	[tilespmem:$0x17400] =	vst v63  }
0x1b0: {  	v3 =	vld [tilespmem:s8+$0xFFFFFF80];
	_ =	sdelay $0x4  }
0x1b1: {  	v59 =	vshll.u32 v3, $0x1  }
0x1b2: {  	v3 =	vand.u32 $0x7, v3;
	v4 =	vand.u32 $0xFFFFFFF0, v59  }
0x1b3: {  	v3 =	vor.u32 v3, v4  }
0x1b4: {  	v4 =	vperm.xlane v3, v0;
	_ =	sdelay $0x1  }
0x1b5: {  	v3 =	vperm.xlane v3, v2;
	v4 =	vadd.s32 v1, v4;
	_ =	sdelay $0x1  }
0x1b6: {  	v3 =	vadd.s32 v1, v3;
	_ =	sdelay $0x1  }
0x1b7: {  	s19 =	simm.s32 $0x12400  }
0x1b8: {  	[tilespmem:s19], [sflag:$0x4] =	stream.indirect_vreg.gather [hbm4b:s1+s3], $0x80, v4, vm0, $0xb8;
	[tilespmem:$0x17400] =	vst v63  }
0x1b9: {  	s19 =	simm.s32 $0x12C00  }
0x1ba: {  	[tilespmem:s19], [sflag:$0x4] =	stream.indirect_vreg.gather [hbm4b:s1+s3], $0x80, v3, vm0, $0xb8;
	[tilespmem:$0x17400] =	vst v63  }
0x1bb: {  	_ =	swait.ge [sflag:s6], $0x4000  }
0x1bc: {  	[sflag:s6] =	ssyncset.done $0x0  }
0x1bd: {  	[sflag:s6] =	ssyncadd.s32 $0xFFFFC000  }
0x1be: {  	v3 =	vld [tilespmem:s8+$0xFFFFFFD0];
	_ =	sdelay $0x4  }
0x1bf: {  	v60 =	vshll.u32 v3, $0x1  }
0x1c0: {  	v3 =	vand.u32 $0x7, v3;
	v4 =	vand.u32 $0xFFFFFFF0, v60  }
0x1c1: {  	v3 =	vor.u32 v3, v4  }
0x1c2: {  	v4 =	vperm.xlane v3, v0;
	_ =	sdelay $0x1  }
0x1c3: {  	v3 =	vperm.xlane v3, v2;
	v4 =	vadd.s32 v1, v4;
	_ =	sdelay $0x1  }
0x1c4: {  	v3 =	vadd.s32 v1, v3;
	_ =	sdelay $0x2  }
0x1c5: {  	[tilespmem:s16], [sflag:$0x5] =	stream.indirect_vreg.gather [hbm4b:s1+s3], $0x80, v4, vm0, $0xb8;
	[tilespmem:$0x17400] =	vst v63  }
0x1c6: {  	s19 =	simm.s32 $0x13C00  }
0x1c7: {  	[tilespmem:s19], [sflag:$0x5] =	stream.indirect_vreg.gather [hbm4b:s1+s3], $0x80, v3, vm0, $0xb8;
	[tilespmem:$0x17400] =	vst v63  }
0x1c8: {  	v3 =	vld [tilespmem:s8+$0xFFFFFFE0];
	_ =	sdelay $0x4  }
0x1c9: {  	v61 =	vshll.u32 v3, $0x1  }
0x1ca: {  	v3 =	vand.u32 $0x7, v3;
	v4 =	vand.u32 $0xFFFFFFF0, v61  }
0x1cb: {  	v3 =	vor.u32 v3, v4  }
0x1cc: {  	v4 =	vperm.xlane v3, v0;
	_ =	sdelay $0x1  }
0x1cd: {  	v3 =	vperm.xlane v3, v2;
	v4 =	vadd.s32 v1, v4;
	_ =	sdelay $0x1  }
0x1ce: {  	v3 =	vadd.s32 v1, v3;
	_ =	sdelay $0x1  }
0x1cf: {  	s19 =	simm.s32 $0x14400  }
0x1d0: {  	[tilespmem:s19], [sflag:$0x5] =	stream.indirect_vreg.gather [hbm4b:s1+s3], $0x80, v4, vm0, $0xb8;
	[tilespmem:$0x17400] =	vst v63  }
0x1d1: {  	s19 =	simm.s32 $0x14C00  }
0x1d2: {  	[tilespmem:s19], [sflag:$0x5] =	stream.indirect_vreg.gather [hbm4b:s1+s3], $0x80, v3, vm0, $0xb8;
	[tilespmem:$0x17400] =	vst v63  }
0x1d3: {  	v3 =	vld [tilespmem:s8+$0xFFFFFFF0];
	_ =	sdelay $0x4  }
0x1d4: {  	v62 =	vshll.u32 v3, $0x1  }
0x1d5: {  	v3 =	vand.u32 $0x7, v3;
	v4 =	vand.u32 $0xFFFFFFF0, v62  }
0x1d6: {  	v3 =	vor.u32 v3, v4  }
0x1d7: {  	v4 =	vperm.xlane v3, v0;
	_ =	sdelay $0x1  }
0x1d8: {  	v3 =	vperm.xlane v3, v2;
	v4 =	vadd.s32 v1, v4;
	_ =	sdelay $0x1  }
0x1d9: {  	v3 =	vadd.s32 v1, v3;
	_ =	sdelay $0x1  }
0x1da: {  	s19 =	simm.s32 $0x15400  }
0x1db: {  	[tilespmem:s19], [sflag:$0x5] =	stream.indirect_vreg.gather [hbm4b:s1+s3], $0x80, v4, vm0, $0xb8;
	[tilespmem:$0x17400] =	vst v63  }
0x1dc: {  	s19 =	simm.s32 $0x15C00  }
0x1dd: {  	[tilespmem:s19], [sflag:$0x5] =	stream.indirect_vreg.gather [hbm4b:s1+s3], $0x80, v3, vm0, $0xb8;
	[tilespmem:$0x17400] =	vst v63  }
0x1de: {  	v3 =	vld [tilespmem:s8+$0x0];
	_ =	sdelay $0x4  }
0x1df: {  	v63 =	vshll.u32 v3, $0x1  }
0x1e0: {  	v3 =	vand.u32 $0x7, v3;
	v4 =	vand.u32 $0xFFFFFFF0, v63  }
0x1e1: {  	v3 =	vor.u32 v3, v4  }
0x1e2: {  	v4 =	vperm.xlane v3, v0;
	_ =	sdelay $0x1  }
0x1e3: {  	v3 =	vperm.xlane v3, v2;
	v4 =	vadd.s32 v1, v4;
	_ =	sdelay $0x1  }
0x1e4: {  	p0 =	sne.s32 s9, $0x2D000;
	v3 =	vadd.s32 v1, v3  }
.Ltmp0:
0x1e5: {  	_ = 	snop;
	(pc) =	sbr.rel @p0 .LBB2_2-.Ltmp0, $4  }
0x1e6: {  	s9 =	sadd.s32 $0x2800, s9;
	s20 =	simm.s32 $0x3400;
	s29 =	simm.s32 $0x7400  }
0x1e7: {  	[tilespmem:s22], [sflag:$0x5] =	stream.indirect_vreg.gather [hbm4b:s1+s3], $0x80, v4, vm0, $0xb8;
	[tilespmem:$0x17400] =	vst v63  }
0x1e8: {  	s7 =	simm.s32 $0xB400;
	s14 =	simm.s32 $0xF400;
	s8 =	sadd.s32 $0x280, s8  }
0x1e9: {  	[tilespmem:s24], [sflag:$0x5] =	stream.indirect_vreg.gather [hbm4b:s1+s3], $0x80, v3, vm0, $0xb8;
	[tilespmem:$0x17400] =	vst v63  }
0x1ea: {  	_ =	swait.ge [sflag:s25], $0x4000  }
0x1eb: {  	[sflag:s25] =	ssyncset.done $0x0  }
0x1ec: {  	s8 =	rddreg [dreg:$0x6];
	[sflag:s25] =	ssyncadd.s32 $0xFFFFC000  }
0x1ed: {  	[hbm4b:s8+s3] =	stream.linear.scatter [tilespmem:s20], [sflag:$0x6], $0x4000, $0x38;
	[tilespmem:$0x17400] =	vst v63  }
0x1ee: {  	_ =	swait.ge [sflag:s26], $0x4000  }
0x1ef: {  	[sflag:s26] =	ssyncset.done $0x0  }
0x1f0: {  	s19 =	rddreg [dreg:$0x7];
	[sflag:s26] =	ssyncadd.s32 $0xFFFFC000  }
0x1f1: {  	[hbm4b:s19+s3] =	stream.linear.scatter [tilespmem:s29], [sflag:$0x7], $0x4000, $0x38;
	[tilespmem:$0x17400] =	vst v63  }
0x1f2: {  	_ =	swait.ge [sflag:s28], $0x4000  }
0x1f3: {  	[sflag:s28] =	ssyncset.done $0x0  }
0x1f4: {  	s21 =	rddreg [dreg:$0x8];
	[sflag:s28] =	ssyncadd.s32 $0xFFFFC000  }
0x1f5: {  	[hbm4b:s21+s3] =	stream.linear.scatter [tilespmem:s7], [sflag:$0x8], $0x4000, $0x38;
	[tilespmem:$0x17400] =	vst v63  }
0x1f6: {  	_ =	swait.ge [sflag:s30], $0x4000  }
0x1f7: {  	[sflag:s30] =	ssyncset.done $0x0  }
0x1f8: {  	s22 =	rddreg [dreg:$0x9];
	[sflag:s30] =	ssyncadd.s32 $0xFFFFC000  }
0x1f9: {  	[hbm4b:s22+s3] =	stream.linear.scatter [tilespmem:s14], [sflag:$0x9], $0x4000, $0x38;
	[tilespmem:$0x17400] =	vst v63  }
0x1fa: {  	_ =	swait.ge [sflag:s31], $0x4000  }
0x1fb: {  	[sflag:s31] =	ssyncset.done $0x0  }
0x1fc: {  	s23 =	rddreg [dreg:$0xa];
	[sflag:s31] =	ssyncadd.s32 $0xFFFFC000  }
0x1fd: {  	[hbm4b:s23+s3] =	stream.linear.scatter [tilespmem:s16], [sflag:$0xA], $0x4000, $0x38;
	[tilespmem:$0x17400] =	vst v63  }
0x1fe: {  	_ =	swait.ge [sflag:s2], $0x4000  }
0x1ff: {  	[sflag:s2] =	ssyncset.done $0x0  }
0x200: {  	[sflag:s2] =	ssyncadd.s32 $0xFFFFC000  }
0x201: {  	_ =	swait.ge [sflag:s0], $0x4000  }
0x202: {  	[sflag:s0] =	ssyncset.done $0x0  }
0x203: {  	[sflag:s0] =	ssyncadd.s32 $0xFFFFC000  }
0x204: {  	_ =	swait.ge [sflag:s4], $0x4000  }
0x205: {  	[sflag:s4] =	ssyncset.done $0x0  }
0x206: {  	[sflag:s4] =	ssyncadd.s32 $0xFFFFC000  }
0x207: {  	_ =	swait.ge [sflag:s5], $0x4000  }
0x208: {  	[sflag:s5] =	ssyncset.done $0x0  }
0x209: {  	[sflag:s5] =	ssyncadd.s32 $0xFFFFC000  }
0x20a: {  	_ =	swait.ge [sflag:s6], $0x4000  }
0x20b: {  	s9 =	rddreg [dreg:$0xc]  }
0x20c: {  	s24 =	rddreg [dreg:$0xb];
	s9 =	sadd.s32 $0x1, s9  }
0x20d: {  	p0 =	sne.s32 s9, s24  }
.Ltmp1:
0x20e: {  	s13 =	simm.s32 $0x5400;
	s12 =	simm.s32 $0x5C00;
	(pc) =	sbr.rel @p0 .LBB2_1-.Ltmp1, $4  }
0x20f: {  	s15 =	simm.s32 $0x6400;
	s17 =	simm.s32 $0x6C00;
	s18 =	simm.s32 $0x7C00  }
0x210: {  	s19 =	simm.s32 $0x8400;
	s21 =	simm.s32 $0x8C00;
	[sflag:s6] =	ssyncset.done $0x0  }
0x211: {  	s22 =	simm.s32 $0x9400;
	s23 =	simm.s32 $0x9C00;
	[sflag:s6] =	ssyncadd.s32 $0xFFFFC000  }
0x212: {  	[dreg:$0xc] =	wrdreg s9;
	s9 =	simm.s32 $0x4C00;
	s24 =	simm.s32 $0xAC00  }
0x213: {  	_ =	sfence.sel $0x180000  }
0x214: {  	[bflag:$0x0] =	sbarrier.arrive $0xFFFF  }
0x215: {  	_ =	strace $0x90000047  }
0x216: {  	s0 =	stileid.u32;
	[bflag:$0x2] =	sbarrier.arrive $0xFFFF  }
0x217: {  	p0 =	sne.s32 s0, $0x0;
	s0 =	rddreg [dreg:$0x3]  }
0x218: {  	s0 =	sadd.s32 @!p0 $0x100000, s0  }
0x219: {  	[sflag:s0] =	ssyncadd.tile.s32 @!p0 $0x1;
	_ =	shalt  }
.Lfunc_end2:
_tile_overlayer_lowered:
.L_overlay_start_2:
0x21a: {  	(tag) =	ssettag $0x2  }
0x21b: {  	s0 =	rddreg [dreg:$0x0];
	s2 =	stileid.u32  }
0x21c: {  	s1 =	rddreg [dreg:$0x1];
	p0 =	sne.s32 s2, $0x0  }
0x21d: {  	s3 =	rddreg [dreg:$0x2];
	[bflag:$0x3] =	sbarrier.arrive $0xFFFF;
	s2 =	simm.s32 @!p0 $0x1C0B  }
0x21e: {  	[timem:s3], [sflag:s2] =	dma.local @!p0 [hbm:s0], s1  }
0x21f: {  	s0 =	simm.s32 @!p0 $0xB  }
0x220: {  	_ =	swait.ge @!p0 [sflag:s0], s1  }
0x221: {  	s1 =	ssub.s32 @!p0 $0x0, s1;
	[sflag:s0] =	ssyncset.done @!p0 $0x0  }
0x222: {  	[sflag:s0] =	ssyncadd.s32 @!p0 s1  }
0x223: {  	[bflag:$0x3] =	sbarrier.arrive $0xFFFF  }
0x224: {  	_ =	shalt  }

</sc_bundles>
